<compile_context>
chip_gen: v7x
topology: tpu7x:2x2x1
jax: 0.10.2.dev20260603
libtpu: 0.0.44.dev20260713+nightly
codegen_flags: <defaults>
</compile_context>

<pallas_src>
import functools

import jax
import jax.numpy as jnp
from jax import lax
from jax.experimental import pallas as pl
from jax.experimental.pallas import tpu as pltpu
from jax.experimental.pallas import tpu_sc as plsc

N = 10000
NP = 10240
D = 128
E = 320000
CH = 128
CPT = 158
EP = 16 * CPT * CH
EPT = CPT * CH

_MESH = plsc.VectorSubcoreMesh(core_axis_name="c", subcore_axis_name="s")


def _stage_a_body(feat_hbm, perm_hbm, degidx_hbm, z1_hbm,
                  xp_hbm, degout_hbm,
                  ia, ib, onesbuf, pidx, rowbuf, deg_sp, sma, smb, sem):
    c = lax.axis_index("c")
    s = lax.axis_index("s")
    w = c * 16 + s
    pltpu.sync_copy(z1_hbm, deg_sp.at[pl.ds(s * 1280, 1280)])
    for k in range(8):
        onesbuf[pl.ds(16 * k, 16)] = jnp.ones((16,), jnp.float32)
    plsc.subcore_barrier()

    base = w * EPT
    pltpu.async_copy(degidx_hbm.at[pl.ds(base, CH)], ia, sma)
    pltpu.async_copy(degidx_hbm.at[pl.ds(base + CH, CH)], ib, smb)

    def deg_body(i, _):
        na = jnp.minimum(2 * i + 2, CPT - 1)
        nb = jnp.minimum(2 * i + 3, CPT - 1)
        pltpu.make_async_copy(degidx_hbm.at[pl.ds(base, CH)], ia, sma).wait()
        pltpu.sync_copy(onesbuf, deg_sp.at[ia], add=True)
        pltpu.async_copy(degidx_hbm.at[pl.ds(base + na * CH, CH)], ia, sma)
        pltpu.make_async_copy(degidx_hbm.at[pl.ds(base, CH)], ib, smb).wait()
        pltpu.sync_copy(onesbuf, deg_sp.at[ib], add=True)
        pltpu.async_copy(degidx_hbm.at[pl.ds(base + nb * CH, CH)], ib, smb)
        return 0
    lax.fori_loop(0, CPT // 2, deg_body, 0)
    pltpu.make_async_copy(degidx_hbm.at[pl.ds(base, CH)], ia, sma).wait()
    pltpu.make_async_copy(degidx_hbm.at[pl.ds(base, CH)], ib, smb).wait()

    def gat_body(k, _):
        rbase = w * 320 + k * 80
        pltpu.sync_copy(perm_hbm.at[pl.ds(rbase, 80)], pidx)
        pltpu.async_copy(feat_hbm.at[pidx], rowbuf, sem).wait()
        pltpu.sync_copy(rowbuf, xp_hbm.at[pl.ds(rbase, 80)])
        return 0
    lax.fori_loop(0, 4, gat_body, 0)

    plsc.subcore_barrier()
    pltpu.sync_copy(deg_sp.at[pl.ds(s * 1280, 1280)],
                    degout_hbm.at[pl.ds(c * 2 * NP + s * 1280, 1280)])


_stage_a = functools.partial(
    pl.kernel,
    out_type=[jax.ShapeDtypeStruct((NP, D), jnp.float32),
              jax.ShapeDtypeStruct((2 * 2 * NP,), jnp.float32)],
    mesh=_MESH,
    scratch_types=[
        pltpu.VMEM((CH,), jnp.int32),
        pltpu.VMEM((CH,), jnp.int32),
        pltpu.VMEM((CH,), jnp.float32),
        pltpu.VMEM((80,), jnp.int32),
        pltpu.VMEM((80, D), jnp.float32),
        pltpu.VMEM_SHARED((2 * NP,), jnp.float32),
        pltpu.SemaphoreType.DMA,
        pltpu.SemaphoreType.DMA,
        pltpu.SemaphoreType.DMA,
    ],
)(_stage_a_body)


def _stage_b_body(feat_ref, xp_ref, deg_ref, out_ref):
    h = pl.program_id(0)
    x = jnp.where(h == 0, feat_ref[...], xp_ref[...])
    d = deg_ref[0] + deg_ref[1]
    nsrc = lax.rsqrt(jnp.maximum(d, 1.0))
    out_ref[...] = x * nsrc


def _stage_b(feat_p, xp, degcol):
    return pl.pallas_call(
        _stage_b_body,
        grid=(2, 8),
        in_specs=[
            pl.BlockSpec((1280, D), lambda h, j: (j, 0)),
            pl.BlockSpec((1280, D), lambda h, j: (j, 0)),
            pl.BlockSpec((2, 1280, 1), lambda h, j: (0, j, 0)),
        ],
        out_specs=pl.BlockSpec((1280, D), lambda h, j: (h * 8 + j, 0)),
        out_shape=jax.ShapeDtypeStruct((2 * NP, D), jnp.float32),
    )(feat_p, xp, degcol)


def _stage_c_body(h2_hbm, src2_hbm, dst_hbm, z2_hbm,
                  out_hbm,
                  siA0, siA1, diA0, diA1,
                  r0, r1, acc_sp, g0, g1):
    c = lax.axis_index("c")
    s = lax.axis_index("s")

    def zbody(k, _):
        pltpu.sync_copy(z2_hbm, acc_sp.at[pl.ds(s * 640 + k * CH, CH)])
        return 0
    lax.fori_loop(0, 5, zbody, 0)
    plsc.subcore_barrier()

    sbase = c * EP + s * EPT
    dbase = s * EPT

    pltpu.sync_copy(src2_hbm.at[pl.ds(sbase, CH)], siA0)
    pltpu.sync_copy(dst_hbm.at[pl.ds(dbase, CH)], diA0)
    pltpu.async_copy(h2_hbm.at[siA0], r0, g0)
    pltpu.sync_copy(src2_hbm.at[pl.ds(sbase + CH, CH)], siA1)
    pltpu.sync_copy(dst_hbm.at[pl.ds(dbase + CH, CH)], diA1)
    pltpu.async_copy(h2_hbm.at[siA1], r1, g1)

    def body(i, _):
        pltpu.make_async_copy(h2_hbm.at[siA0], r0, g0).wait()
        pltpu.sync_copy(r0, acc_sp.at[diA0], add=True)
        nb = jnp.minimum(2 * i + 2, CPT - 1)
        pltpu.sync_copy(src2_hbm.at[pl.ds(sbase + nb * CH, CH)], siA0)
        pltpu.sync_copy(dst_hbm.at[pl.ds(dbase + nb * CH, CH)], diA0)
        pltpu.async_copy(h2_hbm.at[siA0], r0, g0)
        pltpu.make_async_copy(h2_hbm.at[siA1], r1, g1).wait()
        pltpu.sync_copy(r1, acc_sp.at[diA1], add=True)
        nb2 = jnp.minimum(2 * i + 3, CPT - 1)
        pltpu.sync_copy(src2_hbm.at[pl.ds(sbase + nb2 * CH, CH)], siA1)
        pltpu.sync_copy(dst_hbm.at[pl.ds(dbase + nb2 * CH, CH)], diA1)
        pltpu.async_copy(h2_hbm.at[siA1], r1, g1)
        return 0
    lax.fori_loop(0, CPT // 2, body, 0)

    pltpu.make_async_copy(h2_hbm.at[siA0], r0, g0).wait()
    pltpu.make_async_copy(h2_hbm.at[siA1], r1, g1).wait()
    plsc.subcore_barrier()

    def rbody(k, _):
        rb = s * 640 + k * CH
        pltpu.sync_copy(acc_sp.at[pl.ds(rb, CH)], r0)
        pltpu.sync_copy(r0, out_hbm.at[pl.ds(c * NP + rb, CH)])
        return 0
    lax.fori_loop(0, 5, rbody, 0)


_stage_c = functools.partial(
    pl.kernel,
    out_type=jax.ShapeDtypeStruct((2 * NP, D), jnp.float32),
    mesh=_MESH,
    scratch_types=[
        pltpu.VMEM((CH,), jnp.int32),
        pltpu.VMEM((CH,), jnp.int32),
        pltpu.VMEM((CH,), jnp.int32),
        pltpu.VMEM((CH,), jnp.int32),
        pltpu.VMEM((CH, D), jnp.float32),
        pltpu.VMEM((CH, D), jnp.float32),
        pltpu.VMEM_SHARED((NP, D), jnp.float32),
        pltpu.SemaphoreType.DMA, pltpu.SemaphoreType.DMA,
    ],
)(_stage_c_body)


def _stage_d_body(agg_ref, deg_ref, w_ref, b_ref, wd_ref, out_ref):
    dp = deg_ref[...]
    d = dp[0] + dp[1]
    ndst = lax.rsqrt(jnp.maximum(d[NP:NP + N], 1.0))
    W = w_ref[...]
    b = b_ref[...]
    Wd = wd_ref[...]
    pos_a = agg_ref[0:N, :] * ndst
    neg_a = agg_ref[NP:NP + N, :] * ndst
    pos = jnp.maximum(jnp.dot(pos_a, W, preferred_element_type=jnp.float32) + b, 0.0)
    neg = jnp.maximum(jnp.dot(neg_a, W, preferred_element_type=jnp.float32) + b, 0.0)
    summary = jax.nn.sigmoid(jnp.mean(pos, axis=0, keepdims=True))
    p2 = jnp.dot(pos, Wd, preferred_element_type=jnp.float32)
    n2 = jnp.dot(neg, Wd, preferred_element_type=jnp.float32)
    pos_logit = jnp.sum(p2 * summary, axis=1, keepdims=True)
    neg_logit = jnp.sum(n2 * summary, axis=1, keepdims=True)

    def softplus(x):
        return jnp.maximum(x, 0.0) + jnp.log(1.0 + jnp.exp(-jnp.abs(x)))

    l1 = jnp.mean(softplus(-pos_logit))
    l2 = jnp.mean(softplus(neg_logit))
    out_ref[...] = jnp.broadcast_to(l1 + l2, (1, 1))


def _stage_d(agg, degcol, W_gcn, b_row, W_disc):
    return pl.pallas_call(
        _stage_d_body,
        out_shape=jax.ShapeDtypeStruct((1, 1), jnp.float32),
    )(agg, degcol, W_gcn, b_row, W_disc)


def kernel(features, edge_index, perm, W_gcn, b_gcn, W_disc):
    src = edge_index[0]
    dst = edge_index[1]
    src_p = jnp.pad(src, (0, EP - E), constant_values=N)
    dst_p = jnp.pad(dst, (0, EP - E), constant_values=NP - 1)
    src2 = jnp.concatenate([src_p, src_p + NP])
    deg_idx = jnp.concatenate([src_p, dst_p + NP])
    perm_p = jnp.pad(perm, (0, NP - N))
    feat_p = jnp.pad(features, ((0, NP - N), (0, 0)))
    z1 = jnp.zeros((1280,), jnp.float32)
    z2 = jnp.zeros((CH, D), jnp.float32)

    xp, degout = _stage_a(feat_p, perm_p, deg_idx, z1)
    degcol = degout.reshape(2, 2 * NP, 1)
    h2 = _stage_b(feat_p, xp, degcol)
    agg = _stage_c(h2, src2, dst_p, z2)
    loss = _stage_d(agg, degcol, W_gcn, b_gcn.reshape(1, D), W_disc)
    return loss[0, 0]

# --- scband reference (transcript-rebuilt; emitter-appended) ---
"""Pipeline reference for scband-dgi-46222438040294 (READ-ONLY COPY).

The authoritative reference and input builder live on the scoring server;
editing this copy changes nothing except your own understanding.
"""

import jax, jax.numpy as jnp
import numpy as np

N = 10000
E = 320000
D = 128
H = 128

def setup_inputs(seed: int = 0) -> dict:
    key = jax.random.key(seed)
    ks = jax.random.split(key, 6)
    features = jax.random.normal(ks[0], (N, D), dtype=jnp.float32)
    edge_index = jax.random.randint(ks[1], (2, E), 0, N, dtype=jnp.int32)
    # GCN layer weight (glorot uniform) + bias
    gb = float(np.sqrt(6.0 / (D + H)))
    W_gcn = jax.random.uniform(ks[2], (D, H), minval=-gb, maxval=gb, dtype=jnp.float32)
    b_gcn = jnp.zeros((H,), dtype=jnp.float32)
    # Discriminator bilinear weight, uniform(-1/sqrt(H), 1/sqrt(H))
    db = 1.0 / float(np.sqrt(H))
    W_disc = jax.random.uniform(ks[3], (H, H), minval=-db, maxval=db, dtype=jnp.float32)
    # fixed corruption permutation (torch.randperm equivalent, deterministic here)
    perm = jax.random.permutation(ks[4], N).astype(jnp.int32)
    return {"features": features, "edge_index": edge_index, "perm": perm,
            "W_gcn": W_gcn, "b_gcn": b_gcn, "W_disc": W_disc}


def _gcn_layer(x, edge_index, W, b):
    src = edge_index[0]
    dst = edge_index[1]
    ones = jnp.ones((E,), dtype=x.dtype)
    out_deg = jnp.zeros((N,), dtype=x.dtype).at[src].add(ones)
    in_deg = jnp.zeros((N,), dtype=x.dtype).at[dst].add(ones)
    norm_src = jax.lax.rsqrt(jnp.clip(out_deg, 1.0, None))
    norm_dst = jax.lax.rsqrt(jnp.clip(in_deg, 1.0, None))
    h = x * norm_src[:, None]
    msgs = jnp.take(h, src, axis=0)
    agg = jnp.zeros((N, x.shape[1]), dtype=x.dtype).at[dst].add(msgs)
    agg = agg * norm_dst[:, None]
    out = agg @ W + b
    return jax.nn.relu(out)


def reference(features, edge_index, perm, W_gcn, b_gcn, W_disc):
    # positive encoder pass
    positive = _gcn_layer(features, edge_index, W_gcn, b_gcn)
    # corrupted (negative) encoder pass: permute node features
    negative = _gcn_layer(jnp.take(features, perm, axis=0), edge_index, W_gcn, b_gcn)
    summary = jax.nn.sigmoid(jnp.mean(positive, axis=0))
    s = W_disc @ summary
    pos_logit = positive @ s
    neg_logit = negative @ s
    # BCEWithLogitsLoss(pos, ones) = mean(softplus(-pos)); (neg, zeros) = mean(softplus(neg))
    l1 = jnp.mean(jax.nn.softplus(-pos_logit))
    l2 = jnp.mean(jax.nn.softplus(neg_logit))
    return l1 + l2

if __name__ == "__main__":
    import jax
    _d = setup_inputs()
    print(jax.jit(kernel)(*tuple(_d.values())))

</pallas_src>

<mosaic_0001>
#map = affine_map<(d0, d1) -> (0, 0)>
#map1 = affine_map<(d0, d1) -> (0)>
module attributes {stable_mosaic.version = 14 : i64} {
  func.func @_stage_a_body(%arg0: i32, %arg1: i32, %arg2: memref<10240x128xf32, #tpu.memory_space<hbm>>, %arg3: memref<10240xi32, #tpu.memory_space<hbm>>, %arg4: memref<647168xi32, #tpu.memory_space<hbm>>, %arg5: memref<1280xf32, #tpu.memory_space<hbm>>, %arg6: memref<10240x128xf32, #tpu.memory_space<hbm>>, %arg7: memref<40960xf32, #tpu.memory_space<hbm>>, %arg8: memref<128xi32, #tpu.memory_space<vmem>>, %arg9: memref<128xi32, #tpu.memory_space<vmem>>, %arg10: memref<128xf32, #tpu.memory_space<vmem>>, %arg11: memref<80xi32, #tpu.memory_space<vmem>>, %arg12: memref<80x128xf32, #tpu.memory_space<vmem>>, %arg13: memref<20480xf32, #tpu.memory_space<vmem_shared>>, %arg14: memref<!tpu.dma_semaphore, #tpu.memory_space<semaphore_mem>>, %arg15: memref<!tpu.dma_semaphore, #tpu.memory_space<semaphore_mem>>, %arg16: memref<!tpu.dma_semaphore, #tpu.memory_space<semaphore_mem>>) attributes {dimension_semantics = [#tpu.dimension_semantics<core_parallel>, #tpu.dimension_semantics<subcore_parallel>], iteration_bounds = array<i64: 2, 16>, scalar_prefetch = 0 : i64, scratch_operands = 9 : i64, tpu.core_type = #tpu.core_type<sc_vector_subcore>, window_params = [{transform_indices = #map}, {transform_indices = #map1}, {transform_indices = #map1}, {transform_indices = #map1}, {transform_indices = #map}, {transform_indices = #map1}]} {
    %mul3A = arith.constant 16 : i32
    %mul3A_0 = arith.muli %arg0, %mul3A : i32
    %add3A = arith.addi %mul3A_0, %arg1 : i32
    %mul3A_1 = arith.constant 1280 : i32
    %mul3A_2 = arith.muli %arg1, %mul3A_1 : i32
    "tpu.region"() ({
      %run_scoped3A = tpu.sem_alloc : memref<!tpu.dma_semaphore, #tpu.memory_space<semaphore_mem>>
      %dma_start3A_82 = tpu.memref_slice %arg13[%mul3A_2] : memref<20480xf32, #tpu.memory_space<vmem_shared>> -> memref<1280xf32, #tpu.memory_space<vmem_shared>>
      tpu.enqueue_dma source(%arg5 : memref<1280xf32, #tpu.memory_space<hbm>>) target(%dma_start3A_82 : memref<1280xf32, #tpu.memory_space<vmem_shared>>) target_semaphore(%run_scoped3A : memref<!tpu.dma_semaphore, #tpu.memory_space<semaphore_mem>>)
      %dma_wait3A_83 = tpu.memref_slice %arg13[%mul3A_2] : memref<20480xf32, #tpu.memory_space<vmem_shared>> -> memref<1280xf32, #tpu.memory_space<vmem_shared>>
      tpu.wait_dma2 semaphore(%run_scoped3A : memref<!tpu.dma_semaphore, #tpu.memory_space<semaphore_mem>>) src(%arg5 : memref<1280xf32, #tpu.memory_space<hbm>>) dst(%dma_wait3A_83 : memref<1280xf32, #tpu.memory_space<vmem_shared>>)
      tpu.yield
    }) : () -> ()
    %broadcast_in_dim3A = arith.constant 1.000000e+00 : f32
    %broadcast_in_dim3A_3 = vector.broadcast %broadcast_in_dim3A : f32 to vector<16xf32>
    %swap3A = arith.constant 0 : index
    %swap3A_4 = tpu.vector_load %arg10[%swap3A] {strides = array<i32>} : memref<128xf32, #tpu.memory_space<vmem>>, vector<16xf32>,
    %swap3A_5 = vector.shape_cast %swap3A_4 : vector<16xf32> to vector<16xf32>
    %swap3A_6 = vector.shape_cast %broadcast_in_dim3A_3 : vector<16xf32> to vector<16xf32>
    tpu.vector_store %arg10[%swap3A], %swap3A_6 {strides = array<i32>} : memref<128xf32, #tpu.memory_space<vmem>>, vector<16xf32>,
    %broadcast_in_dim3A_7 = arith.constant 1.000000e+00 : f32
    %broadcast_in_dim3A_8 = vector.broadcast %broadcast_in_dim3A_7 : f32 to vector<16xf32>
    %swap3A_9 = arith.constant 16 : index
    %swap3A_10 = tpu.vector_load %arg10[%swap3A_9] {strides = array<i32>} : memref<128xf32, #tpu.memory_space<vmem>>, vector<16xf32>,
    %swap3A_11 = vector.shape_cast %swap3A_10 : vector<16xf32> to vector<16xf32>
    %swap3A_12 = vector.shape_cast %broadcast_in_dim3A_8 : vector<16xf32> to vector<16xf32>
    tpu.vector_store %arg10[%swap3A_9], %swap3A_12 {strides = array<i32>} : memref<128xf32, #tpu.memory_space<vmem>>, vector<16xf32>,
    %broadcast_in_dim3A_13 = arith.constant 1.000000e+00 : f32
    %broadcast_in_dim3A_14 = vector.broadcast %broadcast_in_dim3A_13 : f32 to vector<16xf32>
    %swap3A_15 = arith.constant 32 : index
    %swap3A_16 = tpu.vector_load %arg10[%swap3A_15] {strides = array<i32>} : memref<128xf32, #tpu.memory_space<vmem>>, vector<16xf32>,
    %swap3A_17 = vector.shape_cast %swap3A_16 : vector<16xf32> to vector<16xf32>
    %swap3A_18 = vector.shape_cast %broadcast_in_dim3A_14 : vector<16xf32> to vector<16xf32>
    tpu.vector_store %arg10[%swap3A_15], %swap3A_18 {strides = array<i32>} : memref<128xf32, #tpu.memory_space<vmem>>, vector<16xf32>,
    %broadcast_in_dim3A_19 = arith.constant 1.000000e+00 : f32
    %broadcast_in_dim3A_20 = vector.broadcast %broadcast_in_dim3A_19 : f32 to vector<16xf32>
    %swap3A_21 = arith.constant 48 : index
    %swap3A_22 = tpu.vector_load %arg10[%swap3A_21] {strides = array<i32>} : memref<128xf32, #tpu.memory_space<vmem>>, vector<16xf32>,
    %swap3A_23 = vector.shape_cast %swap3A_22 : vector<16xf32> to vector<16xf32>
    %swap3A_24 = vector.shape_cast %broadcast_in_dim3A_20 : vector<16xf32> to vector<16xf32>
    tpu.vector_store %arg10[%swap3A_21], %swap3A_24 {strides = array<i32>} : memref<128xf32, #tpu.memory_space<vmem>>, vector<16xf32>,
    %broadcast_in_dim3A_25 = arith.constant 1.000000e+00 : f32
    %broadcast_in_dim3A_26 = vector.broadcast %broadcast_in_dim3A_25 : f32 to vector<16xf32>
    %swap3A_27 = arith.constant 64 : index
    %swap3A_28 = tpu.vector_load %arg10[%swap3A_27] {strides = array<i32>} : memref<128xf32, #tpu.memory_space<vmem>>, vector<16xf32>,
    %swap3A_29 = vector.shape_cast %swap3A_28 : vector<16xf32> to vector<16xf32>
    %swap3A_30 = vector.shape_cast %broadcast_in_dim3A_26 : vector<16xf32> to vector<16xf32>
    tpu.vector_store %arg10[%swap3A_27], %swap3A_30 {strides = array<i32>} : memref<128xf32, #tpu.memory_space<vmem>>, vector<16xf32>,
    %broadcast_in_dim3A_31 = arith.constant 1.000000e+00 : f32
    %broadcast_in_dim3A_32 = vector.broadcast %broadcast_in_dim3A_31 : f32 to vector<16xf32>
    %swap3A_33 = arith.constant 80 : index
    %swap3A_34 = tpu.vector_load %arg10[%swap3A_33] {strides = array<i32>} : memref<128xf32, #tpu.memory_space<vmem>>, vector<16xf32>,
    %swap3A_35 = vector.shape_cast %swap3A_34 : vector<16xf32> to vector<16xf32>
    %swap3A_36 = vector.shape_cast %broadcast_in_dim3A_32 : vector<16xf32> to vector<16xf32>
    tpu.vector_store %arg10[%swap3A_33], %swap3A_36 {strides = array<i32>} : memref<128xf32, #tpu.memory_space<vmem>>, vector<16xf32>,
    %broadcast_in_dim3A_37 = arith.constant 1.000000e+00 : f32
    %broadcast_in_dim3A_38 = vector.broadcast %broadcast_in_dim3A_37 : f32 to vector<16xf32>
    %swap3A_39 = arith.constant 96 : index
    %swap3A_40 = tpu.vector_load %arg10[%swap3A_39] {strides = array<i32>} : memref<128xf32, #tpu.memory_space<vmem>>, vector<16xf32>,
    %swap3A_41 = vector.shape_cast %swap3A_40 : vector<16xf32> to vector<16xf32>
    %swap3A_42 = vector.shape_cast %broadcast_in_dim3A_38 : vector<16xf32> to vector<16xf32>
    tpu.vector_store %arg10[%swap3A_39], %swap3A_42 {strides = array<i32>} : memref<128xf32, #tpu.memory_space<vmem>>, vector<16xf32>,
    %broadcast_in_dim3A_43 = arith.constant 1.000000e+00 : f32
    %broadcast_in_dim3A_44 = vector.broadcast %broadcast_in_dim3A_43 : f32 to vector<16xf32>
    %swap3A_45 = arith.constant 112 : index
    %swap3A_46 = tpu.vector_load %arg10[%swap3A_45] {strides = array<i32>} : memref<128xf32, #tpu.memory_space<vmem>>, vector<16xf32>,
    %swap3A_47 = vector.shape_cast %swap3A_46 : vector<16xf32> to vector<16xf32>
    %swap3A_48 = vector.shape_cast %broadcast_in_dim3A_44 : vector<16xf32> to vector<16xf32>
    tpu.vector_store %arg10[%swap3A_45], %swap3A_48 {strides = array<i32>} : memref<128xf32, #tpu.memory_space<vmem>>, vector<16xf32>,
    %barrier3A = arith.constant 0 : index
    tpu.barrier barrier_id(%barrier3A)
    %mul3A_49 = arith.constant 20224 : i32
    %mul3A_50 = arith.muli %add3A, %mul3A_49 : i32
    %dma_start3A = tpu.memref_slice %arg4[%mul3A_50] : memref<647168xi32, #tpu.memory_space<hbm>> -> memref<128xi32, #tpu.memory_space<hbm>>
    %dma_start3A_51 = tpu.memref_slice %arg4[%mul3A_50] : memref<647168xi32, #tpu.memory_space<hbm>> -> memref<128xi32, #tpu.memory_space<hbm>>
    tpu.enqueue_dma source(%dma_start3A_51 : memref<128xi32, #tpu.memory_space<hbm>>) target(%arg8 : memref<128xi32, #tpu.memory_space<vmem>>) target_semaphore(%arg14 : memref<!tpu.dma_semaphore, #tpu.memory_space<semaphore_mem>>)
    %add3A_52 = arith.constant 128 : i32
    %add3A_53 = arith.addi %mul3A_50, %add3A_52 : i32
    %dma_start3A_54 = tpu.memref_slice %arg4[%add3A_53] : memref<647168xi32, #tpu.memory_space<hbm>> -> memref<128xi32, #tpu.memory_space<hbm>>
    %dma_start3A_55 = tpu.memref_slice %arg4[%add3A_53] : memref<647168xi32, #tpu.memory_space<hbm>> -> memref<128xi32, #tpu.memory_space<hbm>>
    tpu.enqueue_dma source(%dma_start3A_55 : memref<128xi32, #tpu.memory_space<hbm>>) target(%arg9 : memref<128xi32, #tpu.memory_space<vmem>>) target_semaphore(%arg15 : memref<!tpu.dma_semaphore, #tpu.memory_space<semaphore_mem>>)
    %scan3A = arith.constant 0 : i32
    %scan3A_56 = arith.constant 0 : i32
    %scan3A_57 = arith.constant 79 : i32
    %scan3A_58 = arith.addi %scan3A_56, %scan3A_57 : i32
    %scan3A_59 = arith.constant 1 : i32
    %scan3A_60 = scf.for %scan3A_82 = %scan3A_56 to %scan3A_58 step %scan3A_59 iter_args(%scan3A_83 = %scan3A) -> (i32)  : i32 {
      %mul3A_84 = arith.constant 2 : i32
      %mul3A_85 = arith.muli %mul3A_84, %scan3A_82 : i32
      %add3A_86 = arith.constant 2 : i32
      %add3A_87 = arith.addi %mul3A_85, %add3A_86 : i32
      %min3A = arith.constant 157 : i32
      %min3A_88 = arith.minsi %add3A_87, %min3A : i32
      %mul3A_89 = arith.constant 2 : i32
      %mul3A_90 = arith.muli %mul3A_89, %scan3A_82 : i32
      %add3A_91 = arith.constant 3 : i32
      %add3A_92 = arith.addi %mul3A_90, %add3A_91 : i32
      %min3A_93 = arith.constant 157 : i32
      %min3A_94 = arith.minsi %add3A_92, %min3A_93 : i32
      %dma_wait3A_95 = tpu.memref_slice %arg4[%mul3A_50] : memref<647168xi32, #tpu.memory_space<hbm>> -> memref<128xi32, #tpu.memory_space<hbm>>
      %dma_wait3A_96 = tpu.memref_slice %arg4[%mul3A_50] : memref<647168xi32, #tpu.memory_space<hbm>> -> memref<128xi32, #tpu.memory_space<hbm>>
      tpu.wait_dma2 semaphore(%arg14 : memref<!tpu.dma_semaphore, #tpu.memory_space<semaphore_mem>>) src(%dma_wait3A_96 : memref<128xi32, #tpu.memory_space<hbm>>) dst(%arg8 : memref<128xi32, #tpu.memory_space<vmem>>)
      "tpu.region"() ({
        %run_scoped3A = tpu.sem_alloc : memref<!tpu.dma_semaphore, #tpu.memory_space<semaphore_mem>>
        %dma_start3A_110 = arith.constant 0 : i32
        %dma_start3A_111 = tpu.memref_slice %arg13[%dma_start3A_110] : memref<20480xf32, #tpu.memory_space<vmem_shared>> -> memref<20480xf32, #tpu.memory_space<vmem_shared>>
        tpu.enqueue_indirect_dma source(%arg10 : memref<128xf32, #tpu.memory_space<vmem>>) target(%dma_start3A_111 : memref<20480xf32, #tpu.memory_space<vmem_shared>>) offsets(%arg8 : memref<128xi32, #tpu.memory_space<vmem>>) semaphore(%run_scoped3A : memref<!tpu.dma_semaphore, #tpu.memory_space<semaphore_mem>>) {add = true}
        %dma_wait3A_112 = arith.constant 0 : i32
        %dma_wait3A_113 = tpu.memref_slice %arg13[%dma_wait3A_112] : memref<20480xf32, #tpu.memory_space<vmem_shared>> -> memref<20480xf32, #tpu.memory_space<vmem_shared>>
        tpu.wait_indirect_dma semaphore(%run_scoped3A : memref<!tpu.dma_semaphore, #tpu.memory_space<semaphore_mem>>) src(%arg10 : memref<128xf32, #tpu.memory_space<vmem>>) dst(%dma_wait3A_113 : memref<20480xf32, #tpu.memory_space<vmem_shared>>)
        tpu.yield
      }) : () -> ()
      %mul3A_97 = arith.constant 128 : i32
      %mul3A_98 = arith.muli %min3A_88, %mul3A_97 : i32
      %add3A_99 = arith.addi %mul3A_50, %mul3A_98 : i32
      %dma_start3A_100 = tpu.memref_slice %arg4[%add3A_99] : memref<647168xi32, #tpu.memory_space<hbm>> -> memref<128xi32, #tpu.memory_space<hbm>>
      %dma_start3A_101 = tpu.memref_slice %arg4[%add3A_99] : memref<647168xi32, #tpu.memory_space<hbm>> -> memref<128xi32, #tpu.memory_space<hbm>>
      tpu.enqueue_dma source(%dma_start3A_101 : memref<128xi32, #tpu.memory_space<hbm>>) target(%arg8 : memref<128xi32, #tpu.memory_space<vmem>>) target_semaphore(%arg14 : memref<!tpu.dma_semaphore, #tpu.memory_space<semaphore_mem>>)
      %dma_wait3A_102 = tpu.memref_slice %arg4[%mul3A_50] : memref<647168xi32, #tpu.memory_space<hbm>> -> memref<128xi32, #tpu.memory_space<hbm>>
      %dma_wait3A_103 = tpu.memref_slice %arg4[%mul3A_50] : memref<647168xi32, #tpu.memory_space<hbm>> -> memref<128xi32, #tpu.memory_space<hbm>>
      tpu.wait_dma2 semaphore(%arg15 : memref<!tpu.dma_semaphore, #tpu.memory_space<semaphore_mem>>) src(%dma_wait3A_103 : memref<128xi32, #tpu.memory_space<hbm>>) dst(%arg9 : memref<128xi32, #tpu.memory_space<vmem>>)
      "tpu.region"() ({
        %run_scoped3A = tpu.sem_alloc : memref<!tpu.dma_semaphore, #tpu.memory_space<semaphore_mem>>
        %dma_start3A_110 = arith.constant 0 : i32
        %dma_start3A_111 = tpu.memref_slice %arg13[%dma_start3A_110] : memref<20480xf32, #tpu.memory_space<vmem_shared>> -> memref<20480xf32, #tpu.memory_space<vmem_shared>>
        tpu.enqueue_indirect_dma source(%arg10 : memref<128xf32, #tpu.memory_space<vmem>>) target(%dma_start3A_111 : memref<20480xf32, #tpu.memory_space<vmem_shared>>) offsets(%arg9 : memref<128xi32, #tpu.memory_space<vmem>>) semaphore(%run_scoped3A : memref<!tpu.dma_semaphore, #tpu.memory_space<semaphore_mem>>) {add = true}
        %dma_wait3A_112 = arith.constant 0 : i32
        %dma_wait3A_113 = tpu.memref_slice %arg13[%dma_wait3A_112] : memref<20480xf32, #tpu.memory_space<vmem_shared>> -> memref<20480xf32, #tpu.memory_space<vmem_shared>>
        tpu.wait_indirect_dma semaphore(%run_scoped3A : memref<!tpu.dma_semaphore, #tpu.memory_space<semaphore_mem>>) src(%arg10 : memref<128xf32, #tpu.memory_space<vmem>>) dst(%dma_wait3A_113 : memref<20480xf32, #tpu.memory_space<vmem_shared>>)
        tpu.yield
      }) : () -> ()
      %mul3A_104 = arith.constant 128 : i32
      %mul3A_105 = arith.muli %min3A_94, %mul3A_104 : i32
      %add3A_106 = arith.addi %mul3A_50, %mul3A_105 : i32
      %dma_start3A_107 = tpu.memref_slice %arg4[%add3A_106] : memref<647168xi32, #tpu.memory_space<hbm>> -> memref<128xi32, #tpu.memory_space<hbm>>
      %dma_start3A_108 = tpu.memref_slice %arg4[%add3A_106] : memref<647168xi32, #tpu.memory_space<hbm>> -> memref<128xi32, #tpu.memory_space<hbm>>
      tpu.enqueue_dma source(%dma_start3A_108 : memref<128xi32, #tpu.memory_space<hbm>>) target(%arg9 : memref<128xi32, #tpu.memory_space<vmem>>) target_semaphore(%arg15 : memref<!tpu.dma_semaphore, #tpu.memory_space<semaphore_mem>>)
      %scan3A_109 = arith.constant 0 : i32
      scf.yield %scan3A_109 : i32
    }
    %scan3A_61 = arith.constant 79 : i32
    %dma_wait3A = tpu.memref_slice %arg4[%mul3A_50] : memref<647168xi32, #tpu.memory_space<hbm>> -> memref<128xi32, #tpu.memory_space<hbm>>
    %dma_wait3A_62 = tpu.memref_slice %arg4[%mul3A_50] : memref<647168xi32, #tpu.memory_space<hbm>> -> memref<128xi32, #tpu.memory_space<hbm>>
    tpu.wait_dma2 semaphore(%arg14 : memref<!tpu.dma_semaphore, #tpu.memory_space<semaphore_mem>>) src(%dma_wait3A_62 : memref<128xi32, #tpu.memory_space<hbm>>) dst(%arg8 : memref<128xi32, #tpu.memory_space<vmem>>)
    %dma_wait3A_63 = tpu.memref_slice %arg4[%mul3A_50] : memref<647168xi32, #tpu.memory_space<hbm>> -> memref<128xi32, #tpu.memory_space<hbm>>
    %dma_wait3A_64 = tpu.memref_slice %arg4[%mul3A_50] : memref<647168xi32, #tpu.memory_space<hbm>> -> memref<128xi32, #tpu.memory_space<hbm>>
    tpu.wait_dma2 semaphore(%arg15 : memref<!tpu.dma_semaphore, #tpu.memory_space<semaphore_mem>>) src(%dma_wait3A_64 : memref<128xi32, #tpu.memory_space<hbm>>) dst(%arg9 : memref<128xi32, #tpu.memory_space<vmem>>)
    %scan3A_65 = arith.constant 0 : i32
    %scan3A_66 = arith.constant 0 : i32
    %scan3A_67 = arith.constant 4 : i32
    %scan3A_68 = arith.addi %scan3A_66, %scan3A_67 : i32
    %scan3A_69 = arith.constant 1 : i32
    %scan3A_70 = scf.for %scan3A_82 = %scan3A_66 to %scan3A_68 step %scan3A_69 iter_args(%scan3A_83 = %scan3A_65) -> (i32)  : i32 {
      %mul3A_84 = arith.constant 320 : i32
      %mul3A_85 = arith.muli %add3A, %mul3A_84 : i32
      %mul3A_86 = arith.constant 80 : i32
      %mul3A_87 = arith.muli %scan3A_82, %mul3A_86 : i32
      %add3A_88 = arith.addi %mul3A_85, %mul3A_87 : i32
      "tpu.region"() ({
        %run_scoped3A = tpu.sem_alloc : memref<!tpu.dma_semaphore, #tpu.memory_space<semaphore_mem>>
        %dma_start3A_96 = tpu.memref_slice %arg3[%add3A_88] : memref<10240xi32, #tpu.memory_space<hbm>> -> memref<80xi32, #tpu.memory_space<hbm>>
        %dma_start3A_97 = tpu.memref_slice %arg3[%add3A_88] : memref<10240xi32, #tpu.memory_space<hbm>> -> memref<80xi32, #tpu.memory_space<hbm>>
        tpu.enqueue_dma source(%dma_start3A_97 : memref<80xi32, #tpu.memory_space<hbm>>) target(%arg11 : memref<80xi32, #tpu.memory_space<vmem>>) target_semaphore(%run_scoped3A : memref<!tpu.dma_semaphore, #tpu.memory_space<semaphore_mem>>)
        %dma_wait3A_98 = tpu.memref_slice %arg3[%add3A_88] : memref<10240xi32, #tpu.memory_space<hbm>> -> memref<80xi32, #tpu.memory_space<hbm>>
        %dma_wait3A_99 = tpu.memref_slice %arg3[%add3A_88] : memref<10240xi32, #tpu.memory_space<hbm>> -> memref<80xi32, #tpu.memory_space<hbm>>
        tpu.wait_dma2 semaphore(%run_scoped3A : memref<!tpu.dma_semaphore, #tpu.memory_space<semaphore_mem>>) src(%dma_wait3A_99 : memref<80xi32, #tpu.memory_space<hbm>>) dst(%arg11 : memref<80xi32, #tpu.memory_space<vmem>>)
        tpu.yield
      }) : () -> ()
      %dma_start3A_89 = arith.constant 0 : i32
      %dma_start3A_90 = arith.constant 0 : i32
      %dma_start3A_91 = tpu.memref_slice %arg2[%dma_start3A_89, %dma_start3A_90] : memref<10240x128xf32, #tpu.memory_space<hbm>> -> memref<10240x128xf32, #tpu.memory_space<hbm>>
      tpu.enqueue_indirect_dma source(%dma_start3A_91 : memref<10240x128xf32, #tpu.memory_space<hbm>>) target(%arg12 : memref<80x128xf32, #tpu.memory_space<vmem>>) offsets(%arg11 : memref<80xi32, #tpu.memory_space<vmem>>) semaphore(%arg16 : memref<!tpu.dma_semaphore, #tpu.memory_space<semaphore_mem>>)
      %dma_wait3A_92 = arith.constant 0 : i32
      %dma_wait3A_93 = arith.constant 0 : i32
      %dma_wait3A_94 = tpu.memref_slice %arg2[%dma_wait3A_92, %dma_wait3A_93] : memref<10240x128xf32, #tpu.memory_space<hbm>> -> memref<10240x128xf32, #tpu.memory_space<hbm>>
      tpu.wait_indirect_dma semaphore(%arg16 : memref<!tpu.dma_semaphore, #tpu.memory_space<semaphore_mem>>) src(%dma_wait3A_94 : memref<10240x128xf32, #tpu.memory_space<hbm>>) dst(%arg12 : memref<80x128xf32, #tpu.memory_space<vmem>>)
      "tpu.region"() ({
        %run_scoped3A = tpu.sem_alloc : memref<!tpu.dma_semaphore, #tpu.memory_space<semaphore_mem>>
        %dma_start3A_96 = arith.constant 0 : i32
        %dma_start3A_97 = tpu.memref_slice %arg6[%add3A_88, %dma_start3A_96] : memref<10240x128xf32, #tpu.memory_space<hbm>> -> memref<80x128xf32, #tpu.memory_space<hbm>>
        %dma_start3A_98 = arith.constant 0 : i32
        %dma_start3A_99 = tpu.memref_slice %arg6[%add3A_88, %dma_start3A_98] : memref<10240x128xf32, #tpu.memory_space<hbm>> -> memref<80x128xf32, #tpu.memory_space<hbm>>
        tpu.enqueue_dma source(%arg12 : memref<80x128xf32, #tpu.memory_space<vmem>>) target(%dma_start3A_99 : memref<80x128xf32, #tpu.memory_space<hbm>>) target_semaphore(%run_scoped3A : memref<!tpu.dma_semaphore, #tpu.memory_space<semaphore_mem>>)
        %dma_wait3A_100 = arith.constant 0 : i32
        %dma_wait3A_101 = tpu.memref_slice %arg6[%add3A_88, %dma_wait3A_100] : memref<10240x128xf32, #tpu.memory_space<hbm>> -> memref<80x128xf32, #tpu.memory_space<hbm>>
        %dma_wait3A_102 = arith.constant 0 : i32
        %dma_wait3A_103 = tpu.memref_slice %arg6[%add3A_88, %dma_wait3A_102] : memref<10240x128xf32, #tpu.memory_space<hbm>> -> memref<80x128xf32, #tpu.memory_space<hbm>>
        tpu.wait_dma2 semaphore(%run_scoped3A : memref<!tpu.dma_semaphore, #tpu.memory_space<semaphore_mem>>) src(%arg12 : memref<80x128xf32, #tpu.memory_space<vmem>>) dst(%dma_wait3A_103 : memref<80x128xf32, #tpu.memory_space<hbm>>)
        tpu.yield
      }) : () -> ()
      %scan3A_95 = arith.constant 0 : i32
      scf.yield %scan3A_95 : i32
    }
    %scan3A_71 = arith.constant 4 : i32
    %barrier3A_72 = arith.constant 0 : index
    tpu.barrier barrier_id(%barrier3A_72)
    %mul3A_73 = arith.constant 1280 : i32
    %mul3A_74 = arith.muli %arg1, %mul3A_73 : i32
    %mul3A_75 = arith.constant 2 : i32
    %mul3A_76 = arith.muli %arg0, %mul3A_75 : i32
    %mul3A_77 = arith.constant 10240 : i32
    %mul3A_78 = arith.muli %mul3A_76, %mul3A_77 : i32
    %mul3A_79 = arith.constant 1280 : i32
    %mul3A_80 = arith.muli %arg1, %mul3A_79 : i32
    %add3A_81 = arith.addi %mul3A_78, %mul3A_80 : i32
    "tpu.region"() ({
      %run_scoped3A = tpu.sem_alloc : memref<!tpu.dma_semaphore, #tpu.memory_space<semaphore_mem>>
      %dma_start3A_82 = tpu.memref_slice %arg7[%add3A_81] : memref<40960xf32, #tpu.memory_space<hbm>> -> memref<1280xf32, #tpu.memory_space<hbm>>
      %dma_start3A_83 = tpu.memref_slice %arg13[%mul3A_74] : memref<20480xf32, #tpu.memory_space<vmem_shared>> -> memref<1280xf32, #tpu.memory_space<vmem_shared>>
      tpu.enqueue_dma source(%dma_start3A_83 : memref<1280xf32, #tpu.memory_space<vmem_shared>>) target(%dma_start3A_82 : memref<1280xf32, #tpu.memory_space<hbm>>) target_semaphore(%run_scoped3A : memref<!tpu.dma_semaphore, #tpu.memory_space<semaphore_mem>>)
      %dma_wait3A_84 = tpu.memref_slice %arg7[%add3A_81] : memref<40960xf32, #tpu.memory_space<hbm>> -> memref<1280xf32, #tpu.memory_space<hbm>>
      %dma_wait3A_85 = tpu.memref_slice %arg13[%mul3A_74] : memref<20480xf32, #tpu.memory_space<vmem_shared>> -> memref<1280xf32, #tpu.memory_space<vmem_shared>>
      tpu.wait_dma2 semaphore(%run_scoped3A : memref<!tpu.dma_semaphore, #tpu.memory_space<semaphore_mem>>) src(%dma_wait3A_85 : memref<1280xf32, #tpu.memory_space<vmem_shared>>) dst(%dma_wait3A_84 : memref<1280xf32, #tpu.memory_space<hbm>>)
      tpu.yield
    }) : () -> ()
    return
  }
}

#map = affine_map<(d0, d1) -> (0, 0)>
#map1 = affine_map<(d0, d1) -> (0)>
module attributes {stable_mosaic.version = 14 : i64} {
  func.func @_stage_c_body(%arg0: i32, %arg1: i32, %arg2: memref<20480x128xf32, #tpu.memory_space<hbm>>, %arg3: memref<647168xi32, #tpu.memory_space<hbm>>, %arg4: memref<323584xi32, #tpu.memory_space<hbm>>, %arg5: memref<128x128xf32, #tpu.memory_space<hbm>>, %arg6: memref<20480x128xf32, #tpu.memory_space<hbm>>, %arg7: memref<128xi32, #tpu.memory_space<vmem>>, %arg8: memref<128xi32, #tpu.memory_space<vmem>>, %arg9: memref<128xi32, #tpu.memory_space<vmem>>, %arg10: memref<128xi32, #tpu.memory_space<vmem>>, %arg11: memref<128x128xf32, #tpu.memory_space<vmem>>, %arg12: memref<128x128xf32, #tpu.memory_space<vmem>>, %arg13: memref<10240x128xf32, #tpu.memory_space<vmem_shared>>, %arg14: memref<!tpu.dma_semaphore, #tpu.memory_space<semaphore_mem>>, %arg15: memref<!tpu.dma_semaphore, #tpu.memory_space<semaphore_mem>>) attributes {dimension_semantics = [#tpu.dimension_semantics<core_parallel>, #tpu.dimension_semantics<subcore_parallel>], iteration_bounds = array<i64: 2, 16>, scalar_prefetch = 0 : i64, scratch_operands = 9 : i64, tpu.core_type = #tpu.core_type<sc_vector_subcore>, window_params = [{transform_indices = #map}, {transform_indices = #map1}, {transform_indices = #map1}, {transform_indices = #map}, {transform_indices = #map}]} {
    %scan3A = arith.constant 0 : i32
    %scan3A_0 = arith.constant 0 : i32
    %scan3A_1 = arith.constant 5 : i32
    %scan3A_2 = arith.addi %scan3A_0, %scan3A_1 : i32
    %scan3A_3 = arith.constant 1 : i32
    %scan3A_4 = scf.for %scan3A_40 = %scan3A_0 to %scan3A_2 step %scan3A_3 iter_args(%scan3A_41 = %scan3A) -> (i32)  : i32 {
      %mul3A_42 = arith.constant 640 : i32
      %mul3A_43 = arith.muli %arg1, %mul3A_42 : i32
      %mul3A_44 = arith.constant 128 : i32
      %mul3A_45 = arith.muli %scan3A_40, %mul3A_44 : i32
      %add3A_46 = arith.addi %mul3A_43, %mul3A_45 : i32
      "tpu.region"() ({
        %run_scoped3A = tpu.sem_alloc : memref<!tpu.dma_semaphore, #tpu.memory_space<semaphore_mem>>
        %dma_start3A_48 = arith.constant 0 : i32
        %dma_start3A_49 = tpu.memref_slice %arg13[%add3A_46, %dma_start3A_48] : memref<10240x128xf32, #tpu.memory_space<vmem_shared>> -> memref<128x128xf32, #tpu.memory_space<vmem_shared>>
        tpu.enqueue_dma source(%arg5 : memref<128x128xf32, #tpu.memory_space<hbm>>) target(%dma_start3A_49 : memref<128x128xf32, #tpu.memory_space<vmem_shared>>) target_semaphore(%run_scoped3A : memref<!tpu.dma_semaphore, #tpu.memory_space<semaphore_mem>>)
        %dma_wait3A_50 = arith.constant 0 : i32
        %dma_wait3A_51 = tpu.memref_slice %arg13[%add3A_46, %dma_wait3A_50] : memref<10240x128xf32, #tpu.memory_space<vmem_shared>> -> memref<128x128xf32, #tpu.memory_space<vmem_shared>>
        tpu.wait_dma2 semaphore(%run_scoped3A : memref<!tpu.dma_semaphore, #tpu.memory_space<semaphore_mem>>) src(%arg5 : memref<128x128xf32, #tpu.memory_space<hbm>>) dst(%dma_wait3A_51 : memref<128x128xf32, #tpu.memory_space<vmem_shared>>)
        tpu.yield
      }) : () -> ()
      %scan3A_47 = arith.constant 0 : i32
      scf.yield %scan3A_47 : i32
    }
    %scan3A_5 = arith.constant 5 : i32
    %barrier3A = arith.constant 0 : index
    tpu.barrier barrier_id(%barrier3A)
    %mul3A = arith.constant 323584 : i32
    %mul3A_6 = arith.muli %arg0, %mul3A : i32
    %mul3A_7 = arith.constant 20224 : i32
    %mul3A_8 = arith.muli %arg1, %mul3A_7 : i32
    %add3A = arith.addi %mul3A_6, %mul3A_8 : i32
    %mul3A_9 = arith.constant 20224 : i32
    %mul3A_10 = arith.muli %arg1, %mul3A_9 : i32
    "tpu.region"() ({
      %run_scoped3A = tpu.sem_alloc : memref<!tpu.dma_semaphore, #tpu.memory_space<semaphore_mem>>
      %dma_start3A_40 = tpu.memref_slice %arg3[%add3A] : memref<647168xi32, #tpu.memory_space<hbm>> -> memref<128xi32, #tpu.memory_space<hbm>>
      %dma_start3A_41 = tpu.memref_slice %arg3[%add3A] : memref<647168xi32, #tpu.memory_space<hbm>> -> memref<128xi32, #tpu.memory_space<hbm>>
      tpu.enqueue_dma source(%dma_start3A_41 : memref<128xi32, #tpu.memory_space<hbm>>) target(%arg7 : memref<128xi32, #tpu.memory_space<vmem>>) target_semaphore(%run_scoped3A : memref<!tpu.dma_semaphore, #tpu.memory_space<semaphore_mem>>)
      %dma_wait3A_42 = tpu.memref_slice %arg3[%add3A] : memref<647168xi32, #tpu.memory_space<hbm>> -> memref<128xi32, #tpu.memory_space<hbm>>
      %dma_wait3A_43 = tpu.memref_slice %arg3[%add3A] : memref<647168xi32, #tpu.memory_space<hbm>> -> memref<128xi32, #tpu.memory_space<hbm>>
      tpu.wait_dma2 semaphore(%run_scoped3A : memref<!tpu.dma_semaphore, #tpu.memory_space<semaphore_mem>>) src(%dma_wait3A_43 : memref<128xi32, #tpu.memory_space<hbm>>) dst(%arg7 : memref<128xi32, #tpu.memory_space<vmem>>)
      tpu.yield
    }) : () -> ()
    "tpu.region"() ({
      %run_scoped3A = tpu.sem_alloc : memref<!tpu.dma_semaphore, #tpu.memory_space<semaphore_mem>>
      %dma_start3A_40 = tpu.memref_slice %arg4[%mul3A_10] : memref<323584xi32, #tpu.memory_space<hbm>> -> memref<128xi32, #tpu.memory_space<hbm>>
      %dma_start3A_41 = tpu.memref_slice %arg4[%mul3A_10] : memref<323584xi32, #tpu.memory_space<hbm>> -> memref<128xi32, #tpu.memory_space<hbm>>
      tpu.enqueue_dma source(%dma_start3A_41 : memref<128xi32, #tpu.memory_space<hbm>>) target(%arg9 : memref<128xi32, #tpu.memory_space<vmem>>) target_semaphore(%run_scoped3A : memref<!tpu.dma_semaphore, #tpu.memory_space<semaphore_mem>>)
      %dma_wait3A_42 = tpu.memref_slice %arg4[%mul3A_10] : memref<323584xi32, #tpu.memory_space<hbm>> -> memref<128xi32, #tpu.memory_space<hbm>>
      %dma_wait3A_43 = tpu.memref_slice %arg4[%mul3A_10] : memref<323584xi32, #tpu.memory_space<hbm>> -> memref<128xi32, #tpu.memory_space<hbm>>
      tpu.wait_dma2 semaphore(%run_scoped3A : memref<!tpu.dma_semaphore, #tpu.memory_space<semaphore_mem>>) src(%dma_wait3A_43 : memref<128xi32, #tpu.memory_space<hbm>>) dst(%arg9 : memref<128xi32, #tpu.memory_space<vmem>>)
      tpu.yield
    }) : () -> ()
    %dma_start3A = arith.constant 0 : i32
    %dma_start3A_11 = arith.constant 0 : i32
    %dma_start3A_12 = tpu.memref_slice %arg2[%dma_start3A, %dma_start3A_11] : memref<20480x128xf32, #tpu.memory_space<hbm>> -> memref<20480x128xf32, #tpu.memory_space<hbm>>
    tpu.enqueue_indirect_dma source(%dma_start3A_12 : memref<20480x128xf32, #tpu.memory_space<hbm>>) target(%arg11 : memref<128x128xf32, #tpu.memory_space<vmem>>) offsets(%arg7 : memref<128xi32, #tpu.memory_space<vmem>>) semaphore(%arg14 : memref<!tpu.dma_semaphore, #tpu.memory_space<semaphore_mem>>)
    %add3A_13 = arith.constant 128 : i32
    %add3A_14 = arith.addi %add3A, %add3A_13 : i32
    "tpu.region"() ({
      %run_scoped3A = tpu.sem_alloc : memref<!tpu.dma_semaphore, #tpu.memory_space<semaphore_mem>>
      %dma_start3A_40 = tpu.memref_slice %arg3[%add3A_14] : memref<647168xi32, #tpu.memory_space<hbm>> -> memref<128xi32, #tpu.memory_space<hbm>>
      %dma_start3A_41 = tpu.memref_slice %arg3[%add3A_14] : memref<647168xi32, #tpu.memory_space<hbm>> -> memref<128xi32, #tpu.memory_space<hbm>>
      tpu.enqueue_dma source(%dma_start3A_41 : memref<128xi32, #tpu.memory_space<hbm>>) target(%arg8 : memref<128xi32, #tpu.memory_space<vmem>>) target_semaphore(%run_scoped3A : memref<!tpu.dma_semaphore, #tpu.memory_space<semaphore_mem>>)
      %dma_wait3A_42 = tpu.memref_slice %arg3[%add3A_14] : memref<647168xi32, #tpu.memory_space<hbm>> -> memref<128xi32, #tpu.memory_space<hbm>>
      %dma_wait3A_43 = tpu.memref_slice %arg3[%add3A_14] : memref<647168xi32, #tpu.memory_space<hbm>> -> memref<128xi32, #tpu.memory_space<hbm>>
      tpu.wait_dma2 semaphore(%run_scoped3A : memref<!tpu.dma_semaphore, #tpu.memory_space<semaphore_mem>>) src(%dma_wait3A_43 : memref<128xi32, #tpu.memory_space<hbm>>) dst(%arg8 : memref<128xi32, #tpu.memory_space<vmem>>)
      tpu.yield
    }) : () -> ()
    %add3A_15 = arith.constant 128 : i32
    %add3A_16 = arith.addi %mul3A_10, %add3A_15 : i32
    "tpu.region"() ({
      %run_scoped3A = tpu.sem_alloc : memref<!tpu.dma_semaphore, #tpu.memory_space<semaphore_mem>>
      %dma_start3A_40 = tpu.memref_slice %arg4[%add3A_16] : memref<323584xi32, #tpu.memory_space<hbm>> -> memref<128xi32, #tpu.memory_space<hbm>>
      %dma_start3A_41 = tpu.memref_slice %arg4[%add3A_16] : memref<323584xi32, #tpu.memory_space<hbm>> -> memref<128xi32, #tpu.memory_space<hbm>>
      tpu.enqueue_dma source(%dma_start3A_41 : memref<128xi32, #tpu.memory_space<hbm>>) target(%arg10 : memref<128xi32, #tpu.memory_space<vmem>>) target_semaphore(%run_scoped3A : memref<!tpu.dma_semaphore, #tpu.memory_space<semaphore_mem>>)
      %dma_wait3A_42 = tpu.memref_slice %arg4[%add3A_16] : memref<323584xi32, #tpu.memory_space<hbm>> -> memref<128xi32, #tpu.memory_space<hbm>>
      %dma_wait3A_43 = tpu.memref_slice %arg4[%add3A_16] : memref<323584xi32, #tpu.memory_space<hbm>> -> memref<128xi32, #tpu.memory_space<hbm>>
      tpu.wait_dma2 semaphore(%run_scoped3A : memref<!tpu.dma_semaphore, #tpu.memory_space<semaphore_mem>>) src(%dma_wait3A_43 : memref<128xi32, #tpu.memory_space<hbm>>) dst(%arg10 : memref<128xi32, #tpu.memory_space<vmem>>)
      tpu.yield
    }) : () -> ()
    %dma_start3A_17 = arith.constant 0 : i32
    %dma_start3A_18 = arith.constant 0 : i32
    %dma_start3A_19 = tpu.memref_slice %arg2[%dma_start3A_17, %dma_start3A_18] : memref<20480x128xf32, #tpu.memory_space<hbm>> -> memref<20480x128xf32, #tpu.memory_space<hbm>>
    tpu.enqueue_indirect_dma source(%dma_start3A_19 : memref<20480x128xf32, #tpu.memory_space<hbm>>) target(%arg12 : memref<128x128xf32, #tpu.memory_space<vmem>>) offsets(%arg8 : memref<128xi32, #tpu.memory_space<vmem>>) semaphore(%arg15 : memref<!tpu.dma_semaphore, #tpu.memory_space<semaphore_mem>>)
    %scan3A_20 = arith.constant 0 : i32
    %scan3A_21 = arith.constant 0 : i32
    %scan3A_22 = arith.constant 79 : i32
    %scan3A_23 = arith.addi %scan3A_21, %scan3A_22 : i32
    %scan3A_24 = arith.constant 1 : i32
    %scan3A_25 = scf.for %scan3A_40 = %scan3A_21 to %scan3A_23 step %scan3A_24 iter_args(%scan3A_41 = %scan3A_20) -> (i32)  : i32 {
      %dma_wait3A_42 = arith.constant 0 : i32
      %dma_wait3A_43 = arith.constant 0 : i32
      %dma_wait3A_44 = tpu.memref_slice %arg2[%dma_wait3A_42, %dma_wait3A_43] : memref<20480x128xf32, #tpu.memory_space<hbm>> -> memref<20480x128xf32, #tpu.memory_space<hbm>>
      tpu.wait_indirect_dma semaphore(%arg14 : memref<!tpu.dma_semaphore, #tpu.memory_space<semaphore_mem>>) src(%dma_wait3A_44 : memref<20480x128xf32, #tpu.memory_space<hbm>>) dst(%arg11 : memref<128x128xf32, #tpu.memory_space<vmem>>)
      "tpu.region"() ({
        %run_scoped3A = tpu.sem_alloc : memref<!tpu.dma_semaphore, #tpu.memory_space<semaphore_mem>>
        %dma_start3A_78 = arith.constant 0 : i32
        %dma_start3A_79 = arith.constant 0 : i32
        %dma_start3A_80 = tpu.memref_slice %arg13[%dma_start3A_78, %dma_start3A_79] : memref<10240x128xf32, #tpu.memory_space<vmem_shared>> -> memref<10240x128xf32, #tpu.memory_space<vmem_shared>>
        tpu.enqueue_indirect_dma source(%arg11 : memref<128x128xf32, #tpu.memory_space<vmem>>) target(%dma_start3A_80 : memref<10240x128xf32, #tpu.memory_space<vmem_shared>>) offsets(%arg9 : memref<128xi32, #tpu.memory_space<vmem>>) semaphore(%run_scoped3A : memref<!tpu.dma_semaphore, #tpu.memory_space<semaphore_mem>>) {add = true}
        %dma_wait3A_81 = arith.constant 0 : i32
        %dma_wait3A_82 = arith.constant 0 : i32
        %dma_wait3A_83 = tpu.memref_slice %arg13[%dma_wait3A_81, %dma_wait3A_82] : memref<10240x128xf32, #tpu.memory_space<vmem_shared>> -> memref<10240x128xf32, #tpu.memory_space<vmem_shared>>
        tpu.wait_indirect_dma semaphore(%run_scoped3A : memref<!tpu.dma_semaphore, #tpu.memory_space<semaphore_mem>>) src(%arg11 : memref<128x128xf32, #tpu.memory_space<vmem>>) dst(%dma_wait3A_83 : memref<10240x128xf32, #tpu.memory_space<vmem_shared>>)
        tpu.yield
      }) : () -> ()
      %mul3A_45 = arith.constant 2 : i32
      %mul3A_46 = arith.muli %mul3A_45, %scan3A_40 : i32
      %add3A_47 = arith.constant 2 : i32
      %add3A_48 = arith.addi %mul3A_46, %add3A_47 : i32
      %min3A = arith.constant 157 : i32
      %min3A_49 = arith.minsi %add3A_48, %min3A : i32
      %mul3A_50 = arith.constant 128 : i32
      %mul3A_51 = arith.muli %min3A_49, %mul3A_50 : i32
      %add3A_52 = arith.addi %add3A, %mul3A_51 : i32
      "tpu.region"() ({
        %run_scoped3A = tpu.sem_alloc : memref<!tpu.dma_semaphore, #tpu.memory_space<semaphore_mem>>
        %dma_start3A_78 = tpu.memref_slice %arg3[%add3A_52] : memref<647168xi32, #tpu.memory_space<hbm>> -> memref<128xi32, #tpu.memory_space<hbm>>
        %dma_start3A_79 = tpu.memref_slice %arg3[%add3A_52] : memref<647168xi32, #tpu.memory_space<hbm>> -> memref<128xi32, #tpu.memory_space<hbm>>
        tpu.enqueue_dma source(%dma_start3A_79 : memref<128xi32, #tpu.memory_space<hbm>>) target(%arg7 : memref<128xi32, #tpu.memory_space<vmem>>) target_semaphore(%run_scoped3A : memref<!tpu.dma_semaphore, #tpu.memory_space<semaphore_mem>>)
        %dma_wait3A_80 = tpu.memref_slice %arg3[%add3A_52] : memref<647168xi32, #tpu.memory_space<hbm>> -> memref<128xi32, #tpu.memory_space<hbm>>
        %dma_wait3A_81 = tpu.memref_slice %arg3[%add3A_52] : memref<647168xi32, #tpu.memory_space<hbm>> -> memref<128xi32, #tpu.memory_space<hbm>>
        tpu.wait_dma2 semaphore(%run_scoped3A : memref<!tpu.dma_semaphore, #tpu.memory_space<semaphore_mem>>) src(%dma_wait3A_81 : memref<128xi32, #tpu.memory_space<hbm>>) dst(%arg7 : memref<128xi32, #tpu.memory_space<vmem>>)
        tpu.yield
      }) : () -> ()
      %mul3A_53 = arith.constant 128 : i32
      %mul3A_54 = arith.muli %min3A_49, %mul3A_53 : i32
      %add3A_55 = arith.addi %mul3A_10, %mul3A_54 : i32
      "tpu.region"() ({
        %run_scoped3A = tpu.sem_alloc : memref<!tpu.dma_semaphore, #tpu.memory_space<semaphore_mem>>
        %dma_start3A_78 = tpu.memref_slice %arg4[%add3A_55] : memref<323584xi32, #tpu.memory_space<hbm>> -> memref<128xi32, #tpu.memory_space<hbm>>
        %dma_start3A_79 = tpu.memref_slice %arg4[%add3A_55] : memref<323584xi32, #tpu.memory_space<hbm>> -> memref<128xi32, #tpu.memory_space<hbm>>
        tpu.enqueue_dma source(%dma_start3A_79 : memref<128xi32, #tpu.memory_space<hbm>>) target(%arg9 : memref<128xi32, #tpu.memory_space<vmem>>) target_semaphore(%run_scoped3A : memref<!tpu.dma_semaphore, #tpu.memory_space<semaphore_mem>>)
        %dma_wait3A_80 = tpu.memref_slice %arg4[%add3A_55] : memref<323584xi32, #tpu.memory_space<hbm>> -> memref<128xi32, #tpu.memory_space<hbm>>
        %dma_wait3A_81 = tpu.memref_slice %arg4[%add3A_55] : memref<323584xi32, #tpu.memory_space<hbm>> -> memref<128xi32, #tpu.memory_space<hbm>>
        tpu.wait_dma2 semaphore(%run_scoped3A : memref<!tpu.dma_semaphore, #tpu.memory_space<semaphore_mem>>) src(%dma_wait3A_81 : memref<128xi32, #tpu.memory_space<hbm>>) dst(%arg9 : memref<128xi32, #tpu.memory_space<vmem>>)
        tpu.yield
      }) : () -> ()
      %dma_start3A_56 = arith.constant 0 : i32
      %dma_start3A_57 = arith.constant 0 : i32
      %dma_start3A_58 = tpu.memref_slice %arg2[%dma_start3A_56, %dma_start3A_57] : memref<20480x128xf32, #tpu.memory_space<hbm>> -> memref<20480x128xf32, #tpu.memory_space<hbm>>
      tpu.enqueue_indirect_dma source(%dma_start3A_58 : memref<20480x128xf32, #tpu.memory_space<hbm>>) target(%arg11 : memref<128x128xf32, #tpu.memory_space<vmem>>) offsets(%arg7 : memref<128xi32, #tpu.memory_space<vmem>>) semaphore(%arg14 : memref<!tpu.dma_semaphore, #tpu.memory_space<semaphore_mem>>)
      %dma_wait3A_59 = arith.constant 0 : i32
      %dma_wait3A_60 = arith.constant 0 : i32
      %dma_wait3A_61 = tpu.memref_slice %arg2[%dma_wait3A_59, %dma_wait3A_60] : memref<20480x128xf32, #tpu.memory_space<hbm>> -> memref<20480x128xf32, #tpu.memory_space<hbm>>
      tpu.wait_indirect_dma semaphore(%arg15 : memref<!tpu.dma_semaphore, #tpu.memory_space<semaphore_mem>>) src(%dma_wait3A_61 : memref<20480x128xf32, #tpu.memory_space<hbm>>) dst(%arg12 : memref<128x128xf32, #tpu.memory_space<vmem>>)
      "tpu.region"() ({
        %run_scoped3A = tpu.sem_alloc : memref<!tpu.dma_semaphore, #tpu.memory_space<semaphore_mem>>
        %dma_start3A_78 = arith.constant 0 : i32
        %dma_start3A_79 = arith.constant 0 : i32
        %dma_start3A_80 = tpu.memref_slice %arg13[%dma_start3A_78, %dma_start3A_79] : memref<10240x128xf32, #tpu.memory_space<vmem_shared>> -> memref<10240x128xf32, #tpu.memory_space<vmem_shared>>
        tpu.enqueue_indirect_dma source(%arg12 : memref<128x128xf32, #tpu.memory_space<vmem>>) target(%dma_start3A_80 : memref<10240x128xf32, #tpu.memory_space<vmem_shared>>) offsets(%arg10 : memref<128xi32, #tpu.memory_space<vmem>>) semaphore(%run_scoped3A : memref<!tpu.dma_semaphore, #tpu.memory_space<semaphore_mem>>) {add = true}
        %dma_wait3A_81 = arith.constant 0 : i32
        %dma_wait3A_82 = arith.constant 0 : i32
        %dma_wait3A_83 = tpu.memref_slice %arg13[%dma_wait3A_81, %dma_wait3A_82] : memref<10240x128xf32, #tpu.memory_space<vmem_shared>> -> memref<10240x128xf32, #tpu.memory_space<vmem_shared>>
        tpu.wait_indirect_dma semaphore(%run_scoped3A : memref<!tpu.dma_semaphore, #tpu.memory_space<semaphore_mem>>) src(%arg12 : memref<128x128xf32, #tpu.memory_space<vmem>>) dst(%dma_wait3A_83 : memref<10240x128xf32, #tpu.memory_space<vmem_shared>>)
        tpu.yield
      }) : () -> ()
      %mul3A_62 = arith.constant 2 : i32
      %mul3A_63 = arith.muli %mul3A_62, %scan3A_40 : i32
      %add3A_64 = arith.constant 3 : i32
      %add3A_65 = arith.addi %mul3A_63, %add3A_64 : i32
      %min3A_66 = arith.constant 157 : i32
      %min3A_67 = arith.minsi %add3A_65, %min3A_66 : i32
      %mul3A_68 = arith.constant 128 : i32
      %mul3A_69 = arith.muli %min3A_67, %mul3A_68 : i32
      %add3A_70 = arith.addi %add3A, %mul3A_69 : i32
      "tpu.region"() ({
        %run_scoped3A = tpu.sem_alloc : memref<!tpu.dma_semaphore, #tpu.memory_space<semaphore_mem>>
        %dma_start3A_78 = tpu.memref_slice %arg3[%add3A_70] : memref<647168xi32, #tpu.memory_space<hbm>> -> memref<128xi32, #tpu.memory_space<hbm>>
        %dma_start3A_79 = tpu.memref_slice %arg3[%add3A_70] : memref<647168xi32, #tpu.memory_space<hbm>> -> memref<128xi32, #tpu.memory_space<hbm>>
        tpu.enqueue_dma source(%dma_start3A_79 : memref<128xi32, #tpu.memory_space<hbm>>) target(%arg8 : memref<128xi32, #tpu.memory_space<vmem>>) target_semaphore(%run_scoped3A : memref<!tpu.dma_semaphore, #tpu.memory_space<semaphore_mem>>)
        %dma_wait3A_80 = tpu.memref_slice %arg3[%add3A_70] : memref<647168xi32, #tpu.memory_space<hbm>> -> memref<128xi32, #tpu.memory_space<hbm>>
        %dma_wait3A_81 = tpu.memref_slice %arg3[%add3A_70] : memref<647168xi32, #tpu.memory_space<hbm>> -> memref<128xi32, #tpu.memory_space<hbm>>
        tpu.wait_dma2 semaphore(%run_scoped3A : memref<!tpu.dma_semaphore, #tpu.memory_space<semaphore_mem>>) src(%dma_wait3A_81 : memref<128xi32, #tpu.memory_space<hbm>>) dst(%arg8 : memref<128xi32, #tpu.memory_space<vmem>>)
        tpu.yield
      }) : () -> ()
      %mul3A_71 = arith.constant 128 : i32
      %mul3A_72 = arith.muli %min3A_67, %mul3A_71 : i32
      %add3A_73 = arith.addi %mul3A_10, %mul3A_72 : i32
      "tpu.region"() ({
        %run_scoped3A = tpu.sem_alloc : memref<!tpu.dma_semaphore, #tpu.memory_space<semaphore_mem>>
        %dma_start3A_78 = tpu.memref_slice %arg4[%add3A_73] : memref<323584xi32, #tpu.memory_space<hbm>> -> memref<128xi32, #tpu.memory_space<hbm>>
        %dma_start3A_79 = tpu.memref_slice %arg4[%add3A_73] : memref<323584xi32, #tpu.memory_space<hbm>> -> memref<128xi32, #tpu.memory_space<hbm>>
        tpu.enqueue_dma source(%dma_start3A_79 : memref<128xi32, #tpu.memory_space<hbm>>) target(%arg10 : memref<128xi32, #tpu.memory_space<vmem>>) target_semaphore(%run_scoped3A : memref<!tpu.dma_semaphore, #tpu.memory_space<semaphore_mem>>)
        %dma_wait3A_80 = tpu.memref_slice %arg4[%add3A_73] : memref<323584xi32, #tpu.memory_space<hbm>> -> memref<128xi32, #tpu.memory_space<hbm>>
        %dma_wait3A_81 = tpu.memref_slice %arg4[%add3A_73] : memref<323584xi32, #tpu.memory_space<hbm>> -> memref<128xi32, #tpu.memory_space<hbm>>
        tpu.wait_dma2 semaphore(%run_scoped3A : memref<!tpu.dma_semaphore, #tpu.memory_space<semaphore_mem>>) src(%dma_wait3A_81 : memref<128xi32, #tpu.memory_space<hbm>>) dst(%arg10 : memref<128xi32, #tpu.memory_space<vmem>>)
        tpu.yield
      }) : () -> ()
      %dma_start3A_74 = arith.constant 0 : i32
      %dma_start3A_75 = arith.constant 0 : i32
      %dma_start3A_76 = tpu.memref_slice %arg2[%dma_start3A_74, %dma_start3A_75] : memref<20480x128xf32, #tpu.memory_space<hbm>> -> memref<20480x128xf32, #tpu.memory_space<hbm>>
      tpu.enqueue_indirect_dma source(%dma_start3A_76 : memref<20480x128xf32, #tpu.memory_space<hbm>>) target(%arg12 : memref<128x128xf32, #tpu.memory_space<vmem>>) offsets(%arg8 : memref<128xi32, #tpu.memory_space<vmem>>) semaphore(%arg15 : memref<!tpu.dma_semaphore, #tpu.memory_space<semaphore_mem>>)
      %scan3A_77 = arith.constant 0 : i32
      scf.yield %scan3A_77 : i32
    }
    %scan3A_26 = arith.constant 79 : i32
    %dma_wait3A = arith.constant 0 : i32
    %dma_wait3A_27 = arith.constant 0 : i32
    %dma_wait3A_28 = tpu.memref_slice %arg2[%dma_wait3A, %dma_wait3A_27] : memref<20480x128xf32, #tpu.memory_space<hbm>> -> memref<20480x128xf32, #tpu.memory_space<hbm>>
    tpu.wait_indirect_dma semaphore(%arg14 : memref<!tpu.dma_semaphore, #tpu.memory_space<semaphore_mem>>) src(%dma_wait3A_28 : memref<20480x128xf32, #tpu.memory_space<hbm>>) dst(%arg11 : memref<128x128xf32, #tpu.memory_space<vmem>>)
    %dma_wait3A_29 = arith.constant 0 : i32
    %dma_wait3A_30 = arith.constant 0 : i32
    %dma_wait3A_31 = tpu.memref_slice %arg2[%dma_wait3A_29, %dma_wait3A_30] : memref<20480x128xf32, #tpu.memory_space<hbm>> -> memref<20480x128xf32, #tpu.memory_space<hbm>>
    tpu.wait_indirect_dma semaphore(%arg15 : memref<!tpu.dma_semaphore, #tpu.memory_space<semaphore_mem>>) src(%dma_wait3A_31 : memref<20480x128xf32, #tpu.memory_space<hbm>>) dst(%arg12 : memref<128x128xf32, #tpu.memory_space<vmem>>)
    %barrier3A_32 = arith.constant 0 : index
    tpu.barrier barrier_id(%barrier3A_32)
    %scan3A_33 = arith.constant 0 : i32
    %scan3A_34 = arith.constant 0 : i32
    %scan3A_35 = arith.constant 5 : i32
    %scan3A_36 = arith.addi %scan3A_34, %scan3A_35 : i32
    %scan3A_37 = arith.constant 1 : i32
    %scan3A_38 = scf.for %scan3A_40 = %scan3A_34 to %scan3A_36 step %scan3A_37 iter_args(%scan3A_41 = %scan3A_33) -> (i32)  : i32 {
      %mul3A_42 = arith.constant 640 : i32
      %mul3A_43 = arith.muli %arg1, %mul3A_42 : i32
      %mul3A_44 = arith.constant 128 : i32
      %mul3A_45 = arith.muli %scan3A_40, %mul3A_44 : i32
      %add3A_46 = arith.addi %mul3A_43, %mul3A_45 : i32
      "tpu.region"() ({
        %run_scoped3A = tpu.sem_alloc : memref<!tpu.dma_semaphore, #tpu.memory_space<semaphore_mem>>
        %dma_start3A_51 = arith.constant 0 : i32
        %dma_start3A_52 = tpu.memref_slice %arg13[%add3A_46, %dma_start3A_51] : memref<10240x128xf32, #tpu.memory_space<vmem_shared>> -> memref<128x128xf32, #tpu.memory_space<vmem_shared>>
        %dma_start3A_53 = arith.constant 0 : i32
        %dma_start3A_54 = tpu.memref_slice %arg13[%add3A_46, %dma_start3A_53] : memref<10240x128xf32, #tpu.memory_space<vmem_shared>> -> memref<128x128xf32, #tpu.memory_space<vmem_shared>>
        tpu.enqueue_dma source(%dma_start3A_54 : memref<128x128xf32, #tpu.memory_space<vmem_shared>>) target(%arg11 : memref<128x128xf32, #tpu.memory_space<vmem>>) target_semaphore(%run_scoped3A : memref<!tpu.dma_semaphore, #tpu.memory_space<semaphore_mem>>)
        %dma_wait3A_55 = arith.constant 0 : i32
        %dma_wait3A_56 = tpu.memref_slice %arg13[%add3A_46, %dma_wait3A_55] : memref<10240x128xf32, #tpu.memory_space<vmem_shared>> -> memref<128x128xf32, #tpu.memory_space<vmem_shared>>
        %dma_wait3A_57 = arith.constant 0 : i32
        %dma_wait3A_58 = tpu.memref_slice %arg13[%add3A_46, %dma_wait3A_57] : memref<10240x128xf32, #tpu.memory_space<vmem_shared>> -> memref<128x128xf32, #tpu.memory_space<vmem_shared>>
        tpu.wait_dma2 semaphore(%run_scoped3A : memref<!tpu.dma_semaphore, #tpu.memory_space<semaphore_mem>>) src(%dma_wait3A_58 : memref<128x128xf32, #tpu.memory_space<vmem_shared>>) dst(%arg11 : memref<128x128xf32, #tpu.memory_space<vmem>>)
        tpu.yield
      }) : () -> ()
      %mul3A_47 = arith.constant 10240 : i32
      %mul3A_48 = arith.muli %arg0, %mul3A_47 : i32
      %add3A_49 = arith.addi %mul3A_48, %add3A_46 : i32
      "tpu.region"() ({
        %run_scoped3A = tpu.sem_alloc : memref<!tpu.dma_semaphore, #tpu.memory_space<semaphore_mem>>
        %dma_start3A_51 = arith.constant 0 : i32
        %dma_start3A_52 = tpu.memref_slice %arg6[%add3A_49, %dma_start3A_51] : memref<20480x128xf32, #tpu.memory_space<hbm>> -> memref<128x128xf32, #tpu.memory_space<hbm>>
        %dma_start3A_53 = arith.constant 0 : i32
        %dma_start3A_54 = tpu.memref_slice %arg6[%add3A_49, %dma_start3A_53] : memref<20480x128xf32, #tpu.memory_space<hbm>> -> memref<128x128xf32, #tpu.memory_space<hbm>>
        tpu.enqueue_dma source(%arg11 : memref<128x128xf32, #tpu.memory_space<vmem>>) target(%dma_start3A_54 : memref<128x128xf32, #tpu.memory_space<hbm>>) target_semaphore(%run_scoped3A : memref<!tpu.dma_semaphore, #tpu.memory_space<semaphore_mem>>)
        %dma_wait3A_55 = arith.constant 0 : i32
        %dma_wait3A_56 = tpu.memref_slice %arg6[%add3A_49, %dma_wait3A_55] : memref<20480x128xf32, #tpu.memory_space<hbm>> -> memref<128x128xf32, #tpu.memory_space<hbm>>
        %dma_wait3A_57 = arith.constant 0 : i32
        %dma_wait3A_58 = tpu.memref_slice %arg6[%add3A_49, %dma_wait3A_57] : memref<20480x128xf32, #tpu.memory_space<hbm>> -> memref<128x128xf32, #tpu.memory_space<hbm>>
        tpu.wait_dma2 semaphore(%run_scoped3A : memref<!tpu.dma_semaphore, #tpu.memory_space<semaphore_mem>>) src(%arg11 : memref<128x128xf32, #tpu.memory_space<vmem>>) dst(%dma_wait3A_58 : memref<128x128xf32, #tpu.memory_space<hbm>>)
        tpu.yield
      }) : () -> ()
      %scan3A_50 = arith.constant 0 : i32
      scf.yield %scan3A_50 : i32
    }
    %scan3A_39 = arith.constant 5 : i32
    return
  }
}

module attributes {stable_mosaic.version = 14 : i64} {
  func.func @_stage_b_body(%arg0: i32, %arg1: i32, %arg2: memref<1280x128xf32, #tpu.memory_space<vmem>>, %arg3: memref<1280x128xf32, #tpu.memory_space<vmem>>, %arg4: memref<2x1280x1xf32, #tpu.memory_space<vmem>>, %arg5: memref<1280x128xf32, #tpu.memory_space<vmem>>) attributes {dimension_semantics = [#tpu.dimension_semantics<arbitrary>, #tpu.dimension_semantics<arbitrary>], iteration_bounds = array<i64: 2, 8>, scalar_prefetch = 0 : i64, scratch_operands = 0 : i64, tpu.core_type = #tpu.core_type<tc>, window_params = [{transform_indices = @transform_0, window_bounds = array<i64: 1280, 128>}, {transform_indices = @transform_1, window_bounds = array<i64: 1280, 128>}, {transform_indices = @transform_2, window_bounds = array<i64: 2, 1280, 1>}, {transform_indices = @transform_3, window_bounds = array<i64: 1280, 128>}]} {
    %eq3A = arith.constant 0 : i32
    %eq3A_0 = arith.cmpi eq, %arg0, %eq3A : i32
    %get3A = arith.constant 0 : index
    %get3A_1 = arith.constant 0 : index
    %get3A_2 = vector.load %arg2[%get3A, %get3A_1] : memref<1280x128xf32, #tpu.memory_space<vmem>>, vector<1280x128xf32>
    %get3A_3 = arith.constant 0 : index
    %get3A_4 = arith.constant 0 : index
    %get3A_5 = vector.load %arg3[%get3A_3, %get3A_4] : memref<1280x128xf32, #tpu.memory_space<vmem>>, vector<1280x128xf32>
    %select_n3A = arith.select %eq3A_0, %get3A_2, %get3A_5 : vector<1280x128xf32>
    %get3A_6 = arith.constant 0 : index
    %get3A_7 = arith.constant 0 : index
    %get3A_8 = arith.constant 0 : index
    %get3A_9 = vector.load %arg4[%get3A_6, %get3A_7, %get3A_8] : memref<2x1280x1xf32, #tpu.memory_space<vmem>>, vector<1x1280x1xf32>
    %get3A_10 = vector.shape_cast %get3A_9 : vector<1x1280x1xf32> to vector<1280x1xf32>
    %get3A_11 = arith.constant 1 : index
    %get3A_12 = arith.constant 0 : index
    %get3A_13 = arith.constant 0 : index
    %get3A_14 = vector.load %arg4[%get3A_11, %get3A_12, %get3A_13] : memref<2x1280x1xf32, #tpu.memory_space<vmem>>, vector<1x1280x1xf32>
    %get3A_15 = vector.shape_cast %get3A_14 : vector<1x1280x1xf32> to vector<1280x1xf32>
    %add3A = arith.addf %get3A_10, %get3A_15 : vector<1280x1xf32>
    %max3A = arith.constant 1.000000e+00 : f32
    %max3A_16 = vector.broadcast %max3A : f32 to vector<1280x1xf32>
    %max3A_17 = arith.maximumf %add3A, %max3A_16 : vector<1280x1xf32>
    %rsqrt3A = math.rsqrt %max3A_17 : vector<1280x1xf32>
    %mul3A = vector.broadcast %rsqrt3A : vector<1280x1xf32> to vector<1280x128xf32>
    %mul3A_18 = arith.mulf %select_n3A, %mul3A : vector<1280x128xf32>
    %swap3A = arith.constant 0 : index
    %swap3A_19 = arith.constant 0 : index
    %swap3A_20 = vector.load %arg5[%swap3A, %swap3A_19] : memref<1280x128xf32, #tpu.memory_space<vmem>>, vector<1280x128xf32>
    tpu.vector_store %arg5[%swap3A, %swap3A_19], %mul3A_18 {strides = array<i32>} : memref<1280x128xf32, #tpu.memory_space<vmem>>, vector<1280x128xf32>,
    return
  }
  func.func @transform_0(%arg0: i32, %arg1: i32) -> (i32, i32) {
    %c0_i32 = arith.constant 0 : i32
    %c0_i32_0 = arith.constant 0 : i32
    return %arg1, %c0_i32 : i32, i32
  }
  func.func @transform_1(%arg0: i32, %arg1: i32) -> (i32, i32) {
    %c0_i32 = arith.constant 0 : i32
    %c0_i32_0 = arith.constant 0 : i32
    return %arg1, %c0_i32 : i32, i32
  }
  func.func @transform_2(%arg0: i32, %arg1: i32) -> (i32, i32, i32) {
    %c0_i32 = arith.constant 0 : i32
    %c0_i32_0 = arith.constant 0 : i32
    %c0_i32_1 = arith.constant 0 : i32
    return %c0_i32, %arg1, %c0_i32_0 : i32, i32, i32
  }
  func.func @transform_3(%arg0: i32, %arg1: i32) -> (i32, i32) {
    %mul3A = arith.constant 8 : i32
    %mul3A_0 = arith.muli %arg0, %mul3A : i32
    %add3A = arith.addi %mul3A_0, %arg1 : i32
    %c0_i32 = arith.constant 0 : i32
    %c0_i32_1 = arith.constant 0 : i32
    return %add3A, %c0_i32 : i32, i32
  }
}

module attributes {stable_mosaic.version = 14 : i64} {
  func.func @_stage_d_body(%arg0: memref<20480x128xf32, #tpu.memory_space<vmem>>, %arg1: memref<2x20480x1xf32, #tpu.memory_space<vmem>>, %arg2: memref<128x128xf32, #tpu.memory_space<vmem>>, %arg3: memref<1x128xf32, #tpu.memory_space<vmem>>, %arg4: memref<128x128xf32, #tpu.memory_space<vmem>>, %arg5: memref<1x1xf32, #tpu.memory_space<vmem>>) attributes {dimension_semantics = [], scalar_prefetch = 0 : i64, scratch_operands = 0 : i64, tpu.core_type = #tpu.core_type<tc>} {
    %get3A = arith.constant 0 : index
    %get3A_0 = arith.constant 0 : index
    %get3A_1 = arith.constant 0 : index
    %get3A_2 = vector.load %arg1[%get3A, %get3A_0, %get3A_1] : memref<2x20480x1xf32, #tpu.memory_space<vmem>>, vector<2x20480x1xf32>
    %slice3A = vector.extract_strided_slice %get3A_2 {offsets = [0, 0, 0], sizes = [1, 20480, 1], strides = [1, 1, 1]} : vector<2x20480x1xf32> to vector<1x20480x1xf32>
    %squeeze3A = vector.shape_cast %slice3A : vector<1x20480x1xf32> to vector<20480x1xf32>
    %slice3A_3 = vector.extract_strided_slice %get3A_2 {offsets = [1, 0, 0], sizes = [1, 20480, 1], strides = [1, 1, 1]} : vector<2x20480x1xf32> to vector<1x20480x1xf32>
    %squeeze3A_4 = vector.shape_cast %slice3A_3 : vector<1x20480x1xf32> to vector<20480x1xf32>
    %add3A = arith.addf %squeeze3A, %squeeze3A_4 : vector<20480x1xf32>
    %slice3A_5 = vector.extract_strided_slice %add3A {offsets = [10240, 0], sizes = [10000, 1], strides = [1, 1]} : vector<20480x1xf32> to vector<10000x1xf32>
    %max3A = arith.constant 1.000000e+00 : f32
    %max3A_6 = vector.broadcast %max3A : f32 to vector<10000x1xf32>
    %max3A_7 = arith.maximumf %slice3A_5, %max3A_6 : vector<10000x1xf32>
    %rsqrt3A = math.rsqrt %max3A_7 : vector<10000x1xf32>
    %get3A_8 = arith.constant 0 : index
    %get3A_9 = arith.constant 0 : index
    %get3A_10 = vector.load %arg2[%get3A_8, %get3A_9] : memref<128x128xf32, #tpu.memory_space<vmem>>, vector<128x128xf32>
    %get3A_11 = arith.constant 0 : index
    %get3A_12 = arith.constant 0 : index
    %get3A_13 = vector.load %arg3[%get3A_11, %get3A_12] : memref<1x128xf32, #tpu.memory_space<vmem>>, vector<1x128xf32>
    %get3A_14 = arith.constant 0 : index
    %get3A_15 = arith.constant 0 : index
    %get3A_16 = vector.load %arg4[%get3A_14, %get3A_15] : memref<128x128xf32, #tpu.memory_space<vmem>>, vector<128x128xf32>
    %get3A_17 = arith.constant 0 : index
    %get3A_18 = arith.constant 0 : index
    %get3A_19 = vector.load %arg0[%get3A_17, %get3A_18] : memref<20480x128xf32, #tpu.memory_space<vmem>>, vector<10000x128xf32>
    %mul3A = vector.broadcast %rsqrt3A : vector<10000x1xf32> to vector<10000x128xf32>
    %mul3A_20 = arith.mulf %get3A_19, %mul3A : vector<10000x128xf32>
    %get3A_21 = arith.constant 10240 : index
    %get3A_22 = arith.constant 0 : index
    %get3A_23 = vector.load %arg0[%get3A_21, %get3A_22] : memref<20480x128xf32, #tpu.memory_space<vmem>>, vector<10000x128xf32>
    %mul3A_24 = vector.broadcast %rsqrt3A : vector<10000x1xf32> to vector<10000x128xf32>
    %mul3A_25 = arith.mulf %get3A_23, %mul3A_24 : vector<10000x128xf32>
    %dot_general3A = arith.constant dense<0.000000e+00> : vector<10000x128xf32>
    %dot_general3A_26 = tpu.matmul %mul3A_20, %get3A_10, %dot_general3A {dimension_numbers = #tpu.dot_dimension_numbers<[1], [0], [0], [1], [0, 0, 1, 1], [], []>, transpose_lhs_hint = false} : vector<10000x128xf32>, vector<128x128xf32>, vector<10000x128xf32> -> vector<10000x128xf32>
    %add3A_27 = vector.broadcast %get3A_13 : vector<1x128xf32> to vector<10000x128xf32>
    %add3A_28 = arith.addf %dot_general3A_26, %add3A_27 : vector<10000x128xf32>
    %max3A_29 = arith.constant 0.000000e+00 : f32
    %max3A_30 = vector.broadcast %max3A_29 : f32 to vector<10000x128xf32>
    %max3A_31 = arith.maximumf %add3A_28, %max3A_30 : vector<10000x128xf32>
    %dot_general3A_32 = arith.constant dense<0.000000e+00> : vector<10000x128xf32>
    %dot_general3A_33 = tpu.matmul %mul3A_25, %get3A_10, %dot_general3A_32 {dimension_numbers = #tpu.dot_dimension_numbers<[1], [0], [0], [1], [0, 0, 1, 1], [], []>, transpose_lhs_hint = false} : vector<10000x128xf32>, vector<128x128xf32>, vector<10000x128xf32> -> vector<10000x128xf32>
    %add3A_34 = vector.broadcast %get3A_13 : vector<1x128xf32> to vector<10000x128xf32>
    %add3A_35 = arith.addf %dot_general3A_33, %add3A_34 : vector<10000x128xf32>
    %max3A_36 = arith.constant 0.000000e+00 : f32
    %max3A_37 = vector.broadcast %max3A_36 : f32 to vector<10000x128xf32>
    %max3A_38 = arith.maximumf %add3A_35, %max3A_37 : vector<10000x128xf32>
    %reduce_sum3A = arith.constant dense<0.000000e+00> : vector<128xf32>
    %reduce_sum3A_39 = vector.multi_reduction <add>, %max3A_31, %reduce_sum3A [0] : vector<10000x128xf32> to vector<128xf32>
    %broadcast_in_dim3A = vector.shape_cast %reduce_sum3A_39 : vector<128xf32> to vector<1x128xf32>
    %div3A = arith.constant 1.000000e+04 : f32
    %div3A_40 = vector.broadcast %div3A : f32 to vector<1x128xf32>
    %div3A_41 = arith.divf %broadcast_in_dim3A, %div3A_40 : vector<1x128xf32>
    %logistic3A = arith.negf %div3A_41 : vector<1x128xf32>
    %logistic3A_42 = math.exp %logistic3A : vector<1x128xf32>
    %logistic3A_43 = arith.constant 1.000000e+00 : f32
    %logistic3A_44 = vector.broadcast %logistic3A_43 : f32 to vector<1x128xf32>
    %logistic3A_45 = arith.addf %logistic3A_44, %logistic3A_42 : vector<1x128xf32>
    %logistic3A_46 = arith.divf %logistic3A_44, %logistic3A_45 : vector<1x128xf32>
    %dot_general3A_47 = arith.constant dense<0.000000e+00> : vector<10000x128xf32>
    %dot_general3A_48 = tpu.matmul %max3A_31, %get3A_16, %dot_general3A_47 {dimension_numbers = #tpu.dot_dimension_numbers<[1], [0], [0], [1], [0, 0, 1, 1], [], []>, transpose_lhs_hint = false} : vector<10000x128xf32>, vector<128x128xf32>, vector<10000x128xf32> -> vector<10000x128xf32>
    %dot_general3A_49 = arith.constant dense<0.000000e+00> : vector<10000x128xf32>
    %dot_general3A_50 = tpu.matmul %max3A_38, %get3A_16, %dot_general3A_49 {dimension_numbers = #tpu.dot_dimension_numbers<[1], [0], [0], [1], [0, 0, 1, 1], [], []>, transpose_lhs_hint = false} : vector<10000x128xf32>, vector<128x128xf32>, vector<10000x128xf32> -> vector<10000x128xf32>
    %mul3A_51 = vector.broadcast %logistic3A_46 : vector<1x128xf32> to vector<10000x128xf32>
    %mul3A_52 = arith.mulf %dot_general3A_48, %mul3A_51 : vector<10000x128xf32>
    %reduce_sum3A_53 = arith.constant dense<0.000000e+00> : vector<10000xf32>
    %reduce_sum3A_54 = vector.multi_reduction <add>, %mul3A_52, %reduce_sum3A_53 [1] : vector<10000x128xf32> to vector<10000xf32>
    %broadcast_in_dim3A_55 = vector.shape_cast %reduce_sum3A_54 : vector<10000xf32> to vector<10000x1xf32>
    %mul3A_56 = vector.broadcast %logistic3A_46 : vector<1x128xf32> to vector<10000x128xf32>
    %mul3A_57 = arith.mulf %dot_general3A_50, %mul3A_56 : vector<10000x128xf32>
    %reduce_sum3A_58 = arith.constant dense<0.000000e+00> : vector<10000xf32>
    %reduce_sum3A_59 = vector.multi_reduction <add>, %mul3A_57, %reduce_sum3A_58 [1] : vector<10000x128xf32> to vector<10000xf32>
    %broadcast_in_dim3A_60 = vector.shape_cast %reduce_sum3A_59 : vector<10000xf32> to vector<10000x1xf32>
    %neg3A = arith.constant 0.000000e+00 : f32
    %neg3A_61 = vector.broadcast %neg3A : f32 to vector<10000x1xf32>
    %neg3A_62 = arith.subf %neg3A_61, %broadcast_in_dim3A_55 : vector<10000x1xf32>
    %max3A_63 = arith.constant 0.000000e+00 : f32
    %max3A_64 = vector.broadcast %max3A_63 : f32 to vector<10000x1xf32>
    %max3A_65 = arith.maximumf %neg3A_62, %max3A_64 : vector<10000x1xf32>
    %abs3A = math.absf %neg3A_62 : vector<10000x1xf32>
    %neg3A_66 = arith.constant 0.000000e+00 : f32
    %neg3A_67 = vector.broadcast %neg3A_66 : f32 to vector<10000x1xf32>
    %neg3A_68 = arith.subf %neg3A_67, %abs3A : vector<10000x1xf32>
    %exp3A = math.exp %neg3A_68 : vector<10000x1xf32>
    %add3A_69 = arith.constant 1.000000e+00 : f32
    %add3A_70 = vector.broadcast %add3A_69 : f32 to vector<10000x1xf32>
    %add3A_71 = arith.addf %add3A_70, %exp3A : vector<10000x1xf32>
    %log3A = math.log %add3A_71 : vector<10000x1xf32>
    %add3A_72 = arith.addf %max3A_65, %log3A : vector<10000x1xf32>
    %reduce_sum3A_73 = vector.shape_cast %add3A_72 : vector<10000x1xf32> to vector<1x10000x1xf32>
    %reduce_sum3A_74 = arith.constant dense<0.000000e+00> : vector<1xf32>
    %reduce_sum3A_75 = vector.multi_reduction <add>, %reduce_sum3A_73, %reduce_sum3A_74 [1, 2] : vector<1x10000x1xf32> to vector<1xf32>
    %reduce_sum3A_76 = vector.shape_cast %reduce_sum3A_75 : vector<1xf32> to vector<1x1x1xf32>
    %reduce_sum3A_77 = vector.extract %reduce_sum3A_76[0, 0, 0] : f32 from vector<1x1x1xf32>
    %div3A_78 = arith.constant 1.000000e+04 : f32
    %div3A_79 = arith.divf %reduce_sum3A_77, %div3A_78 : f32
    %max3A_80 = arith.constant 0.000000e+00 : f32
    %max3A_81 = vector.broadcast %max3A_80 : f32 to vector<10000x1xf32>
    %max3A_82 = arith.maximumf %broadcast_in_dim3A_60, %max3A_81 : vector<10000x1xf32>
    %abs3A_83 = math.absf %broadcast_in_dim3A_60 : vector<10000x1xf32>
    %neg3A_84 = arith.constant 0.000000e+00 : f32
    %neg3A_85 = vector.broadcast %neg3A_84 : f32 to vector<10000x1xf32>
    %neg3A_86 = arith.subf %neg3A_85, %abs3A_83 : vector<10000x1xf32>
    %exp3A_87 = math.exp %neg3A_86 : vector<10000x1xf32>
    %add3A_88 = arith.constant 1.000000e+00 : f32
    %add3A_89 = vector.broadcast %add3A_88 : f32 to vector<10000x1xf32>
    %add3A_90 = arith.addf %add3A_89, %exp3A_87 : vector<10000x1xf32>
    %log3A_91 = math.log %add3A_90 : vector<10000x1xf32>
    %add3A_92 = arith.addf %max3A_82, %log3A_91 : vector<10000x1xf32>
    %reduce_sum3A_93 = vector.shape_cast %add3A_92 : vector<10000x1xf32> to vector<1x10000x1xf32>
    %reduce_sum3A_94 = arith.constant dense<0.000000e+00> : vector<1xf32>
    %reduce_sum3A_95 = vector.multi_reduction <add>, %reduce_sum3A_93, %reduce_sum3A_94 [1, 2] : vector<1x10000x1xf32> to vector<1xf32>
    %reduce_sum3A_96 = vector.shape_cast %reduce_sum3A_95 : vector<1xf32> to vector<1x1x1xf32>
    %reduce_sum3A_97 = vector.extract %reduce_sum3A_96[0, 0, 0] : f32 from vector<1x1x1xf32>
    %div3A_98 = arith.constant 1.000000e+04 : f32
    %div3A_99 = arith.divf %reduce_sum3A_97, %div3A_98 : f32
    %add3A_100 = arith.addf %div3A_79, %div3A_99 : f32
    %broadcast_in_dim3A_101 = vector.broadcast %add3A_100 : f32 to vector<1x1xf32>
    %swap3A = arith.constant 0 : index
    %swap3A_102 = arith.constant 0 : index
    %swap3A_103 = vector.load %arg5[%swap3A, %swap3A_102] : memref<1x1xf32, #tpu.memory_space<vmem>>, vector<1x1xf32>
    tpu.vector_store %arg5[%swap3A, %swap3A_102], %broadcast_in_dim3A_101 {strides = array<i32>} : memref<1x1xf32, #tpu.memory_space<vmem>>, vector<1x1xf32>,
    return
  }
}

</mosaic_0001>

<sc_bundles>
// kernel: kernel.6.cloned.1.call-start
scs
__scs_entry_jumppad:
0x0: {  	(pc) =	sbr.rel $0x88, $3  }
0x1: {  	(tag) =	ssettag $0x0;
	lr =	simm.s32 $0x1  }
0x2: {  	[smem:$0x3F9B] =	sst lr;
	_ =	strace $0xD0000000  }
0x3: {  	_ = 	snop  }
0x4: {  	_ = 	snop  }
0x5: {  	_ = 	snop  }
0x6: {  	_ = 	snop  }
0x7: {  	_ = 	snop  }
__scs_overlays_trampoline_lowered:
0x8: {  	[smem:$0x3FAA] =	sst s0  }
0x9: {  	[smem:$0x3FAB] =	sst s1  }
0xa: {  	[smem:$0x3FAC] =	sst s2  }
0xb: {  	[smem:$0x3FAD] =	sst s3  }
0xc: {  	[smem:$0x3FAE] =	sst s4  }
0xd: {  	[smem:$0x3FAF] =	sst s5  }
0xe: {  	[smem:$0x3FB0] =	sst s6  }
0xf: {  	[smem:$0x3FB1] =	sst s7  }
0x10: {  	[smem:$0x3FB2] =	sst s8  }
0x11: {  	[smem:$0x3FB3] =	sst s9;
	s0 =	simm.s32 @!p0 $0x0  }
0x12: {  	s1 =	sld [smem:$0x3F99];
	s0 =	simm.s32 @p0 $0x1  }
0x13: {  	[smem:$0x3FB4] =	sst s0;
	s0 =	simm.s32 @!p1 $0x0  }
0x14: {  	s2 =	sld [smem:$0x3F98];
	s0 =	simm.s32 @p1 $0x1  }
0x15: {  	[smem:$0x3FB5] =	sst s0;
	s0 =	simm.s32 @!p2 $0x0  }
0x16: {  	s3 =	sld [smem:$0x3FDB];
	s0 =	simm.s32 @p2 $0x1  }
0x17: {  	s4 =	simm.s32 $0x1BF5;
	[smem:$0x3FB7] =	sst s0  }
0x18: {  	s0 =	sld [smem:$0x3F9A];
	_ =	swait.ge [sflag:s4], $0x0  }
0x19: {  	s7 =	sld [smem:$0x3F9B]  }
0x1a: {  	s8 =	sadd.s32 $0xFFFFE003, lr  }
0x1b: {  	s9 =	sadd.s32 $0xFFFFFEF7, lr;
	s5 =	simm.s32 $0xFFFFFFFF;
	p2 =	slt.u32 s8, $0xFFFFF086  }
0x1c: {  	p1 =	slt.u32 s9, $0xF7A;
	s5 =	simm.s32 @!p2 $0x0  }
0x1d: {  	s5 =	simm.s32 @p1 $0x1;
	p0 =	seq.s32 s7, s2  }
0x1e: {  	s7 =	smul.u32 @!p0 $0xF7A, s2;
	p2 =	seq.s32 @!p0 s5, $0x0  }
0x1f: {  	s9 =	smul.u32 $0xF7A, s1;
	s8 =	simm.s32 @!p0 $0x1BF5;
	p2 =	por !p2, p0  }
0x20: {  	[sflag:s8] =	ssyncset.s32 @!p0 $0xFFFFF086;
	s6 =	sadd.s32 @!p0 s3, s7;
	s7 =	simm.s32 @!p0 $0x108  }
0x21: {  	s3 =	sadd.s32 s3, s9;
	s6 =	sadd.s32 @!p0 $0x88, s6;
	s7 =	simm.s32 @p2 $0x1082  }
0x22: {  	[simem:s7], [sflag:s8] =	dma.local @!p0 [hbm:s6], $0xF7A  }
0x23: {  	s9 =	sor.u32 $0xD0000000, s2;
	s6 =	simm.s32 $0x108;
	_ =	swait.ge @!p0 [sflag:s8], $0x0  }
0x24: {  	s3 =	sadd.s32 $0x88, s3;
	s6 =	simm.s32 @!p1 $0x1082;
	[sflag:s4] =	ssyncset.s32 $0xFFFFF086  }
0x25: {  	[simem:s6], [sflag:s4] =	dma.local [hbm:s3], $0xF7A  }
0x26: {  	[smem:$0x3F9B] =	sst s1;
	(tag) =	ssettag s2;
	_ =	strace s9  }
0x27: {  	s1 =	sld [smem:$0x3FAB]  }
0x28: {  	s2 =	sld [smem:$0x3FAC]  }
0x29: {  	s4 =	sld [smem:$0x3FAE]  }
0x2a: {  	p0 =	seq.s32 s5, $0x0;
	s5 =	sld [smem:$0x3FAF]  }
0x2b: {  	s6 =	sld [smem:$0x3FB0]  }
0x2c: {  	s7 =	sld [smem:$0x3FB1]  }
0x2d: {  	s3 =	simm.s32 $0x108;
	s8 =	sld [smem:$0x3FB2]  }
0x2e: {  	s3 =	simm.s32 @!p0 $0x1082;
	s9 =	sld [smem:$0x3FB3]  }
0x2f: {  	lr =	sadd.s32 s0, s3;
	s0 =	sld [smem:$0x3FAA]  }
0x30: {  	s3 =	sld [smem:$0x3FAD]  }
0x31: {  	[smem:$0x3FB6] =	sst s10  }
0x32: {  	s10 =	sld [smem:$0x3FB4];
	_ =	sdelay $0x3  }
0x33: {  	p0 =	seq.s32 s10, $0x1;
	s10 =	sld [smem:$0x3FB6];
	_ =	sdelay $0x3  }
0x34: {  	[smem:$0x3FB6] =	sst s10  }
0x35: {  	s10 =	sld [smem:$0x3FB5];
	_ =	sdelay $0x3  }
0x36: {  	p1 =	seq.s32 s10, $0x1;
	s10 =	sld [smem:$0x3FB6];
	_ =	sdelay $0x3  }
0x37: {  	[smem:$0x3FB6] =	sst s10  }
0x38: {  	s10 =	sld [smem:$0x3FB7]  }
0x39: {  	_ = 	snop;
	(pc) =	sbr.ind lr, $3  }
0x3a: {  	_ = 	snop  }
0x3b: {  	_ = 	snop  }
0x3c: {  	p2 =	seq.s32 s10, $0x1;
	s10 =	sld [smem:$0x3FB6]  }
0x3d: {  	_ =	shalt  }
0x3e: {  	_ =	shalt  }
0x3f: {  	_ =	shalt  }
0x40: {  	_ =	shalt  }
0x41: {  	_ =	shalt  }
0x42: {  	_ =	shalt  }
0x43: {  	_ =	shalt  }
0x44: {  	_ =	shalt  }
0x45: {  	_ =	shalt  }
0x46: {  	_ =	shalt  }
0x47: {  	_ =	shalt  }
0x48: {  	_ =	shalt  }
0x49: {  	_ =	shalt  }
0x4a: {  	_ =	shalt  }
0x4b: {  	_ =	shalt  }
0x4c: {  	_ =	shalt  }
0x4d: {  	_ =	shalt  }
0x4e: {  	_ =	shalt  }
0x4f: {  	_ =	shalt  }
0x50: {  	_ =	shalt  }
0x51: {  	_ =	shalt  }
0x52: {  	_ =	shalt  }
0x53: {  	_ =	shalt  }
0x54: {  	_ =	shalt  }
0x55: {  	_ =	shalt  }
0x56: {  	_ =	shalt  }
0x57: {  	_ =	shalt  }
0x58: {  	_ =	shalt  }
0x59: {  	_ =	shalt  }
0x5a: {  	_ =	shalt  }
0x5b: {  	_ =	shalt  }
0x5c: {  	_ =	shalt  }
0x5d: {  	_ =	shalt  }
0x5e: {  	_ =	shalt  }
0x5f: {  	_ =	shalt  }
0x60: {  	_ =	shalt  }
0x61: {  	_ =	shalt  }
0x62: {  	_ =	shalt  }
0x63: {  	_ =	shalt  }
0x64: {  	_ =	shalt  }
0x65: {  	_ =	shalt  }
0x66: {  	_ =	shalt  }
0x67: {  	_ =	shalt  }
0x68: {  	_ =	shalt  }
0x69: {  	_ =	shalt  }
0x6a: {  	_ =	shalt  }
0x6b: {  	_ =	shalt  }
0x6c: {  	_ =	shalt  }
0x6d: {  	_ =	shalt  }
0x6e: {  	_ =	shalt  }
0x6f: {  	_ =	shalt  }
0x70: {  	_ =	shalt  }
0x71: {  	_ =	shalt  }
0x72: {  	_ =	shalt  }
0x73: {  	_ =	shalt  }
0x74: {  	_ =	shalt  }
0x75: {  	_ =	shalt  }
0x76: {  	_ =	shalt  }
0x77: {  	_ =	shalt  }
0x78: {  	_ =	shalt  }
0x79: {  	_ =	shalt  }
0x7a: {  	_ =	shalt  }
0x7b: {  	_ =	shalt  }
0x7c: {  	_ =	shalt  }
0x7d: {  	_ =	shalt  }
0x7e: {  	_ =	shalt  }
0x7f: {  	_ =	shalt  }
0x80: {  	_ =	shalt  }
0x81: {  	_ =	shalt  }
0x82: {  	_ =	shalt  }
0x83: {  	_ =	shalt  }
0x84: {  	_ =	shalt  }
0x85: {  	_ =	shalt  }
0x86: {  	_ =	shalt  }
0x87: {  	_ =	shalt  }
.Lfunc_end0:
.L_simem_size_0:
called_computation_lowered:
.L_overlay_start_0:
0x88: {  	s2 =	sld [smem:$0x3FD9]  }
0x89: {  	s3 =	sld [smem:$0x3FFE];
	_ =	sdelay $0x1  }
0x8a: {  	s1 =	srdreg.scid  }
0x8b: {  	s0 =	sand.u32 $0x1, s1  }
0x8c: {  	s16 =	sshll.u32 s0, $0xA;
	s2 =	sadd.s32 s3, s2  }
0x8d: {  	s2 =	sadd.s32 s2, s16  }
0x8e: {  	[smem:$0x3FC2] =	sst s2  }
0x8f: {  	_ = 	snop  }
0x90: {  	(tm) =	ssettm $0x1  }
0x91: {  	s17 =	sld [smem:$0x3FFB];
	_ =	sdelay $0x3  }
0x92: {  	_ =	strace s17  }
0x93: {  	s2 =	sld [smem:$0x3FFC];
	_ =	sdelay $0x3  }
0x94: {  	_ =	strace s2  }
0x95: {  	s2 =	sld [smem:$0x3FFD];
	_ =	sdelay $0x3  }
0x96: {  	_ =	strace s2  }
0x97: {  	_ =	strace $0x8FFFFFFF  }
0x98: {  	s18 =	sld [smem:$0x3FDB];
	_ =	sdelay $0x1  }
0x99: {  	s19 =	simm.s32 $_scs_section_size  }
0x9a: {  	s4 =	simm.s32 $_size__tile_overlayer_lowered;
	s5 =	simm.s32 $_tile_overlayer_lowered  }
0x9b: {  	s22 =	simm.s32 $0x1BFF;
	s21 =	sshll.u32 s5, $0x1;
	s2 =	sadd.s32 s19, s18  }
0x9c: {  	s6 =	simm.s32 $0x0;
	s20 =	sshll.u32 s4, $0x1;
	s4 =	sadd.s32 s21, s2  }
0x9d: {  	[timem:s6], [sflag:s22] =	dma.local [hbm:s4], s20  }
0x9e: {  	_ =	swait.ge [sflag:s22], s20  }
0x9f: {  	s3 =	ssub.s32 $0x0, s20;
	[sflag:s22] =	ssyncset.done $0x0  }
0xa0: {  	[sflag:s22] =	ssyncadd.s32 s3;
	_ =	sdelay $0x1  }
0xa1: {  	s23 =	simm.s32 $0x1B8B  }
0xa2: {  	_ =	swait.ge [sflag:s23], $0x1  }
0xa3: {  	[sflag:s23] =	ssyncset.done $0x0  }
0xa4: {  	s25 =	simm.s32 $0x1B8E;
	s24 =	sld [smem:$0x3FFE];
	[sflag:s23] =	ssyncadd.s32 $0xFFFFFFFF  }
0xa5: {  	s26 =	simm.s32 $execute0_lowered;
	[smem:$0x3FD2] =	sst s25  }
0xa6: {  	s4 =	sshll.u32 s26, $0x1;
	_ =	strace $0x80000046;
	[dreg:$0x1] =	wrdreg $0xFFFFFFFF  }
0xa7: {  	s28 =	simm.s32 $_size_execute0_lowered;
	s2 =	sadd.s32 s2, s4;
	[dreg:$0x0] =	wrdreg $0x0  }
0xa8: {  	s4 =	sshll.u32 s28, $0x1;
	[dreg:$0x2] =	wrdreg s2  }
0xa9: {  	[dreg:$0x3] =	wrdreg s4  }
0xaa: {  	[dreg:$0x4] =	wrdreg $0xC0  }
0xab: {  	_ =	task [dreg:s6], $0x5FFFF  }
0xac: {  	[dreg:$0x1] =	wrdreg $0xFFFFFFFF  }
0xad: {  	[dreg:$0x0] =	wrdreg $0x60  }
0xae: {  	[dreg:$0x2] =	wrdreg s24  }
0xaf: {  	[dreg:$0x3] =	wrdreg $0x2A000  }
0xb0: {  	[dreg:$0x4] =	wrdreg $0x9  }
0xb1: {  	_ =	task.clear_ibuf [dreg:s6], $0x5FFFF;
	_ =	strace $0x90000046  }
0xb2: {  	s29 =	simm.s32 $0x9;
	_ =	strace $0x80000048  }
0xb3: {  	_ =	swait.ge [sflag:s29], $0x1  }
0xb4: {  	[sflag:s29] =	ssyncadd.s32 $0xFFFFFFFF  }
0xb5: {  	_ =	strace $0x90000048  }
0xb6: {  	_ =	sfence  }
0xb7: {  	s30 =	sld [smem:$0x0];
	_ =	sdelay $0x2  }
0xb8: {  	s31 =	sshll.u32 s1, $0xD;
	s1 =	sshrl.u32 s1, $0x2  }
0xb9: {  	s3 =	sand.u32 $0x4000, s31;
	s1 =	sadd.s32 s1, s30  }
0xba: {  	s0 =	sor.u32 s3, s0;
	s1 =	sshll.u32 s1, $0x11  }
0xbb: {  	s0 =	sor.u32 s1, s0  }
0xbc: {  	s0 =	sadd.s32 $0x8F2B, s0  }
0xbd: {  	[sflag:s0] =	ssyncadd.remote.s32 $0x1  }
0xbe: {  	_ =	sfence.sel $0xFFFF  }
0xbf: {  	[dreg:$0x0] =	wrdreg $0xFFFFFFFF;
	(pc) =	sbr.abs _section_cstart, $3  }
0xc0: {  	[dreg:$0x1] =	wrdreg $0xFFFFFFFF  }
0xc1: {  	_ =	task.clear_ibuf [dreg:s6], $0x2FFFF;
	_ =	strace $0x9FFFFFFF  }
0xc2: {  	(tm) =	ssettm $0x7FFFFFFF  }
0xc3: {  	_ =	shalt  }
tec
execute0_lowered:
.L_overlay_start_1:
0x0: {  	(tag) =	ssettag $0x1  }
0x1: {  	s0 =	rddreg [dreg:$0x0]  }
0x2: {  	s2 =	rddreg [dreg:$0x1];
	s3 =	simm.s32 $0x0  }
0x3: {  	s1 =	srdreg.scid;
	s15 =	stileid.u32;
	s28 =	simm.s32 $0x1  }
0x4: {  	s29 =	simm.s32 $0x100;
	s30 =	simm.s32 $0x2;
	s31 =	simm.s32 $0x180  }
0x5: {  	[smem:$0x7FF] =	sst s3;
	s1 =	sand.u32 $0x1, s1;
	s6 =	smul.u32 $0x500, s15  }
0x6: {  	s4 =	sadd.s32 $0xCA00, s0;
	s10 =	sadd.s32 $0x2600, s0;
	s5 =	sadd.s32 $0x34A00, s0  }
0x7: {  	s9 =	sadd.s32 $0x5C200, s0;
	s12 =	sadd.s32 $0x5D800, s0;
	s23 =	sshll.u32 s15, $0x6  }
0x8: {  	_ =	strace $0x80000047;
	s7 =	smul.u32 $0x5000, s1;
	s8 =	sshll.u32 s1, $0x4  }
0x9: {  	s19 =	ssub.s32 $0x2, s1;
	s1 =	smul.u32 $0x4F000, s1;
	s11 =	sor.u32 s15, s8  }
0xa: {  	[dreg:$0x3] =	wrdreg s9;
	s9 =	sor.u32 $0x1C04, s23;
	s20 =	smul.u32 $0x4F00, s11  }
0xb: {  	s21 =	sshrl.u32 s19, $0x1;
	s7 =	sadd.s32 s6, s7;
	s24 =	smul.u32 $0x140, s11  }
0xc: {  	s6 =	sadd.s32 s6, s2;
	s11 =	smul.u32 $0x1400, s11;
	s7 =	sshrl.u32 s7, $0x3  }
0xd: {  	[dreg:$0x4] =	wrdreg s6;
	s0 =	sadd.s32 s7, s0;
	s7 =	ssub.s32 s19, s21  }
0xe: {  	s22 =	sshrl.u32 s20, $0x3;
	s25 =	sshrl.u32 s24, $0x3;
	s26 =	sadd.s32 $0x50, s24  }
0xf: {  	s17 =	sadd.s32 s12, s11;
	s19 =	sadd.s32 $0xA0, s24;
	s21 =	smul.u32 $0x4F00, s15  }
0x10: {  	s6 =	sadd.s32 $0xF0, s24;
	s8 =	sadd.s32 s5, s22;
	s0 =	sadd.s32 $0x5C400, s0  }
0x11: {  	s14 =	smax.u32 s7, $0x1;
	s16 =	sshrl.u32 s26, $0x3;
	[dreg:$0x9] =	wrdreg s17  }
0x12: {  	s18 =	sshll.u32 s26, $0x4;
	s20 =	sshrl.u32 s19, $0x3;
	s22 =	sshll.u32 s19, $0x4  }
0x13: {  	s23 =	sshrl.u32 s6, $0x3;
	s24 =	sshll.u32 s6, $0x4;
	s6 =	simm.s32 $0x3  }
0x14: {  	s7 =	simm.s32 $0x0;
	s13 =	sadd.s32 $0x10, s8;
	[dreg:$0x6] =	wrdreg s0  }
0x15: {  	s0 =	sadd.s32 s10, s25;
	[dreg:$0x8] =	wrdreg s14;
	s14 =	sadd.s32 $0x9D0, s8  }
0x16: {  	s16 =	sadd.s32 s10, s16;
	s17 =	sadd.s32 s12, s18;
	s18 =	sadd.s32 s10, s20  }
0x17: {  	s19 =	sadd.s32 s12, s22;
	s1 =	sadd.s32 s21, s1;
	s20 =	sadd.s32 s10, s23  }
0x18: {  	s21 =	sadd.s32 s12, s24;
	s22 =	sadd.s32 $0x9C0, s8;
	[dreg:$0x5] =	wrdreg s13  }
0x19: {  	[dreg:$0x7] =	wrdreg s0;
	s25 =	sadd.s32 $0x180, s1;
	s23 =	sadd.s32 $0x100, s1  }
0x1a: {  	s0 =	simm.s32 $0x50;
	s1 =	simm.s32 $0x200;
	s26 =	sshrl.u32 s25, $0x3  }
0x1b: {  	v0 =	vimm.f32 $1.000000000e+00;
	s25 =	simm.s32 $0x4;
	s24 =	sadd.s32 s26, s5;
	s26 =	simm.s32 $0x80  }
.LBB2_1:
0x1c: {  	s10 =	rddreg [dreg:$0x4]  }
0x1d: {  	s11 =	rddreg [dreg:$0x3];
	s10 =	sshrl.u32 s10, $0x3  }
0x1e: {  	[spmem:s10], [sflag:s9] =	dma.local [hbm:s11], $0xA0  }
0x1f: {  	_ =	swait.ge [sflag:s25], $0xA0  }
0x20: {  	[sflag:s25] =	ssyncset.done $0x0  }
0x21: {  	[sflag:s25] =	ssyncadd.s32 $0xFFFFFF60  }
0x22: {  	[tilespmem:$0x100] =	vst v0  }
0x23: {  	[tilespmem:$0x110] =	vst v0  }
0x24: {  	[tilespmem:$0x120] =	vst v0  }
0x25: {  	[tilespmem:$0x130] =	vst v0  }
0x26: {  	[tilespmem:$0x140] =	vst v0  }
0x27: {  	[tilespmem:$0x150] =	vst v0  }
0x28: {  	[tilespmem:$0x160] =	vst v0  }
0x29: {  	[tilespmem:$0x170] =	vst v0  }
0x2a: {  	[bflag:$0x0] =	sbarrier.arrive $0xFFFF  }
0x2b: {  	[tilespmem:s3], [sflag:$0x1] =	stream.linear.gather [hbm4b:s8+s3], $0x80, $0x38;
	[tilespmem:$0x2F00] =	vst v63  }
0x2c: {  	s13 =	rddreg [dreg:$0x5]  }
0x2d: {  	[tilespmem:s26], [sflag:$0x2] =	stream.linear.gather [hbm4b:s13+s3], $0x80, $0x38;
	[tilespmem:$0x2F00] =	vst v63  }
0x2e: {  	_ =	swait.ge [sflag:s28], $0x80  }
0x2f: {  	[sflag:s28] =	ssyncset.done $0x0  }
0x30: {  	[sflag:s28] =	ssyncadd.s32 $0xFFFFFF80  }
0x31: {  	[spmem:s2] =	stream.indirect.scatter.add.f32 [tilespmem:s29], [sflag:$0x4], $0x1, s3, s26, $0xb8;
	[tilespmem:$0x2F00] =	vst v63  }
0x32: {  	_ =	swait.ge [sflag:s25], $0x80  }
0x33: {  	s15 =	sshrl.u32 s23, $0x3;
	[sflag:s25] =	ssyncset.done $0x0  }
0x34: {  	s11 =	sadd.s32 s5, s15;
	[sflag:s25] =	ssyncadd.s32 $0xFFFFFF80  }
0x35: {  	[tilespmem:s3], [sflag:$0x1] =	stream.linear.gather [hbm4b:s11+s3], $0x80, $0x38;
	[tilespmem:$0x2F00] =	vst v63  }
0x36: {  	_ =	swait.ge [sflag:s30], $0x80  }
0x37: {  	[sflag:s30] =	ssyncset.done $0x0  }
0x38: {  	[sflag:s30] =	ssyncadd.s32 $0xFFFFFF80  }
0x39: {  	[spmem:s2] =	stream.indirect.scatter.add.f32 [tilespmem:s29], [sflag:$0x4], $0x1, s26, s26, $0xb8;
	[tilespmem:$0x2F00] =	vst v63  }
0x3a: {  	_ =	swait.ge [sflag:s25], $0x80  }
0x3b: {  	s12 =	sadd.s32 $0x100, s23;
	[sflag:s25] =	ssyncset.done $0x0  }
0x3c: {  	s13 =	sadd.s32 $0x0, s24;
	s11 =	simm.s32 $0x20;
	[sflag:s25] =	ssyncadd.s32 $0xFFFFFF80  }
.LBB2_2:
0x3d: {  	[tilespmem:s26], [sflag:$0x2] =	stream.linear.gather [hbm4b:s13+s3], $0x80, $0x38;
	[tilespmem:$0x2F00] =	vst v63  }
0x3e: {  	s13 =	smov.u32 s11  }
0x3f: {  	p0 =	sne.s32 s11, $0x980;
	s11 =	sadd.s32 $0x20, s11;
	_ =	swait.ge [sflag:s28], $0x80  }
0x40: {  	[sflag:s28] =	ssyncset.done $0x0  }
0x41: {  	[sflag:s28] =	ssyncadd.s32 $0xFFFFFF80  }
0x42: {  	[spmem:s2] =	stream.indirect.scatter.add.f32 [tilespmem:s29], [sflag:$0x4], $0x1, s3, s26, $0xb8;
	[tilespmem:$0x2F00] =	vst v63  }
0x43: {  	_ =	swait.ge [sflag:s25], $0x80  }
0x44: {  	s15 =	sshrl.u32 s12, $0x3;
	[sflag:s25] =	ssyncset.done $0x0  }
0x45: {  	s15 =	sadd.s32 s5, s15;
	[sflag:s25] =	ssyncadd.s32 $0xFFFFFF80  }
0x46: {  	[tilespmem:s3], [sflag:$0x1] =	stream.linear.gather [hbm4b:s15+s3], $0x80, $0x38;
	[tilespmem:$0x2F00] =	vst v63  }
0x47: {  	_ =	swait.ge [sflag:s30], $0x80  }
0x48: {  	[sflag:s30] =	ssyncset.done $0x0  }
.Ltmp0:
0x49: {  	[sflag:s30] =	ssyncadd.s32 $0xFFFFFF80;
	(pc) =	sbr.rel @p0 .LBB2_2-.Ltmp0, $4  }
0x4a: {  	[spmem:s2] =	stream.indirect.scatter.add.f32 [tilespmem:s29], [sflag:$0x4], $0x1, s26, s26, $0xb8;
	[tilespmem:$0x2F00] =	vst v63  }
0x4b: {  	_ =	swait.ge [sflag:s25], $0x80  }
0x4c: {  	[sflag:s25] =	ssyncset.done $0x0  }
0x4d: {  	s12 =	sadd.s32 $0x100, s12;
	s13 =	sadd.s32 s13, s24;
	[sflag:s25] =	ssyncadd.s32 $0xFFFFFF80  }
0x4e: {  	[tilespmem:s26], [sflag:$0x2] =	stream.linear.gather [hbm4b:s13+s3], $0x80, $0x38;
	[tilespmem:$0x2F00] =	vst v63  }
0x4f: {  	_ =	swait.ge [sflag:s28], $0x80  }
0x50: {  	[sflag:s28] =	ssyncset.done $0x0  }
0x51: {  	[sflag:s28] =	ssyncadd.s32 $0xFFFFFF80  }
0x52: {  	[spmem:s2] =	stream.indirect.scatter.add.f32 [tilespmem:s29], [sflag:$0x4], $0x1, s3, s26, $0xb8;
	[tilespmem:$0x2F00] =	vst v63  }
0x53: {  	_ =	swait.ge [sflag:s25], $0x80  }
0x54: {  	[sflag:s25] =	ssyncset.done $0x0  }
0x55: {  	[sflag:s25] =	ssyncadd.s32 $0xFFFFFF80  }
0x56: {  	[tilespmem:s3], [sflag:$0x1] =	stream.linear.gather [hbm4b:s22+s3], $0x80, $0x38;
	[tilespmem:$0x2F00] =	vst v63  }
0x57: {  	_ =	swait.ge [sflag:s30], $0x80  }
0x58: {  	[sflag:s30] =	ssyncset.done $0x0  }
0x59: {  	[sflag:s30] =	ssyncadd.s32 $0xFFFFFF80  }
0x5a: {  	[spmem:s2] =	stream.indirect.scatter.add.f32 [tilespmem:s29], [sflag:$0x4], $0x1, s26, s26, $0xb8;
	[tilespmem:$0x2F00] =	vst v63  }
0x5b: {  	_ =	swait.ge [sflag:s25], $0x80  }
0x5c: {  	[sflag:s25] =	ssyncset.done $0x0  }
0x5d: {  	[sflag:s25] =	ssyncadd.s32 $0xFFFFFF80  }
0x5e: {  	[tilespmem:s26], [sflag:$0x2] =	stream.linear.gather [hbm4b:s14+s3], $0x80, $0x38;
	[tilespmem:$0x2F00] =	vst v63  }
0x5f: {  	_ =	swait.ge [sflag:s28], $0x80  }
0x60: {  	[sflag:s28] =	ssyncset.done $0x0  }
0x61: {  	[sflag:s28] =	ssyncadd.s32 $0xFFFFFF80  }
0x62: {  	[spmem:s2] =	stream.indirect.scatter.add.f32 [tilespmem:s29], [sflag:$0x4], $0x1, s3, s26, $0xb8;
	[tilespmem:$0x2F00] =	vst v63  }
0x63: {  	_ =	swait.ge [sflag:s25], $0x80  }
0x64: {  	[sflag:s25] =	ssyncset.done $0x0  }
0x65: {  	[sflag:s25] =	ssyncadd.s32 $0xFFFFFF80  }
0x66: {  	[tilespmem:s3], [sflag:$0x1] =	stream.linear.gather [hbm4b:s14+s3], $0x80, $0x38;
	[tilespmem:$0x2F00] =	vst v63  }
0x67: {  	_ =	swait.ge [sflag:s30], $0x80  }
0x68: {  	[sflag:s30] =	ssyncset.done $0x0  }
0x69: {  	[sflag:s30] =	ssyncadd.s32 $0xFFFFFF80  }
0x6a: {  	[spmem:s2] =	stream.indirect.scatter.add.f32 [tilespmem:s29], [sflag:$0x4], $0x1, s26, s26, $0xb8;
	[tilespmem:$0x2F00] =	vst v63  }
0x6b: {  	_ =	swait.ge [sflag:s25], $0x80  }
0x6c: {  	[sflag:s25] =	ssyncset.done $0x0  }
0x6d: {  	[sflag:s25] =	ssyncadd.s32 $0xFFFFFF80  }
0x6e: {  	[tilespmem:s26], [sflag:$0x2] =	stream.linear.gather [hbm4b:s14+s3], $0x80, $0x38;
	[tilespmem:$0x2F00] =	vst v63  }
0x6f: {  	_ =	swait.ge [sflag:s28], $0x80  }
0x70: {  	[sflag:s28] =	ssyncset.done $0x0  }
0x71: {  	[sflag:s28] =	ssyncadd.s32 $0xFFFFFF80  }
0x72: {  	_ =	swait.ge [sflag:s30], $0x80  }
0x73: {  	[sflag:s30] =	ssyncset.done $0x0  }
0x74: {  	s11 =	rddreg [dreg:$0x7];
	[sflag:s30] =	ssyncadd.s32 $0xFFFFFF80  }
0x75: {  	[tilespmem:s31], [sflag:$0x4] =	stream.linear.gather [hbm4b:s11+s3], $0x50, $0x38;
	[tilespmem:$0x2F00] =	vst v63  }
0x76: {  	_ =	swait.ge [sflag:s25], $0x50  }
0x77: {  	[sflag:s25] =	ssyncset.done $0x0  }
0x78: {  	[sflag:s25] =	ssyncadd.s32 $0xFFFFFFB0  }
0x79: {  	[tilespmem:s1], [sflag:$0x3] =	stream.indirect.gather [hbm4b:s4+s0], $0x80, s31, s0, $0xb8;
	[tilespmem:$0x2F00] =	vst v63  }
0x7a: {  	_ =	swait.ge [sflag:s6], $0x2800  }
0x7b: {  	[sflag:s6] =	ssyncset.done $0x0  }
0x7c: {  	s12 =	rddreg [dreg:$0x9];
	[sflag:s6] =	ssyncadd.s32 $0xFFFFD800  }
0x7d: {  	[hbm4b:s12+s3] =	stream.linear.scatter [tilespmem:s1], [sflag:$0x4], $0x2800, $0x38;
	[tilespmem:$0x2F00] =	vst v63  }
0x7e: {  	_ =	swait.ge [sflag:s25], $0x2800  }
0x7f: {  	[sflag:s25] =	ssyncset.done $0x0  }
0x80: {  	[sflag:s25] =	ssyncadd.s32 $0xFFFFD800  }
0x81: {  	[tilespmem:s31], [sflag:$0x4] =	stream.linear.gather [hbm4b:s16+s3], $0x50, $0x38;
	[tilespmem:$0x2F00] =	vst v63  }
0x82: {  	_ =	swait.ge [sflag:s25], $0x50  }
0x83: {  	[sflag:s25] =	ssyncset.done $0x0  }
0x84: {  	[sflag:s25] =	ssyncadd.s32 $0xFFFFFFB0  }
0x85: {  	[tilespmem:s1], [sflag:$0x3] =	stream.indirect.gather [hbm4b:s4+s0], $0x80, s31, s0, $0xb8;
	[tilespmem:$0x2F00] =	vst v63  }
0x86: {  	_ =	swait.ge [sflag:s6], $0x2800  }
0x87: {  	[sflag:s6] =	ssyncset.done $0x0  }
0x88: {  	[sflag:s6] =	ssyncadd.s32 $0xFFFFD800  }
0x89: {  	[hbm4b:s17+s3] =	stream.linear.scatter [tilespmem:s1], [sflag:$0x4], $0x2800, $0x38;
	[tilespmem:$0x2F00] =	vst v63  }
0x8a: {  	_ =	swait.ge [sflag:s25], $0x2800  }
0x8b: {  	[sflag:s25] =	ssyncset.done $0x0  }
0x8c: {  	[sflag:s25] =	ssyncadd.s32 $0xFFFFD800  }
0x8d: {  	[tilespmem:s31], [sflag:$0x4] =	stream.linear.gather [hbm4b:s18+s3], $0x50, $0x38;
	[tilespmem:$0x2F00] =	vst v63  }
0x8e: {  	_ =	swait.ge [sflag:s25], $0x50  }
0x8f: {  	[sflag:s25] =	ssyncset.done $0x0  }
0x90: {  	[sflag:s25] =	ssyncadd.s32 $0xFFFFFFB0  }
0x91: {  	[tilespmem:s1], [sflag:$0x3] =	stream.indirect.gather [hbm4b:s4+s0], $0x80, s31, s0, $0xb8;
	[tilespmem:$0x2F00] =	vst v63  }
0x92: {  	_ =	swait.ge [sflag:s6], $0x2800  }
0x93: {  	[sflag:s6] =	ssyncset.done $0x0  }
0x94: {  	[sflag:s6] =	ssyncadd.s32 $0xFFFFD800  }
0x95: {  	[hbm4b:s19+s3] =	stream.linear.scatter [tilespmem:s1], [sflag:$0x4], $0x2800, $0x38;
	[tilespmem:$0x2F00] =	vst v63  }
0x96: {  	_ =	swait.ge [sflag:s25], $0x2800  }
0x97: {  	[sflag:s25] =	ssyncset.done $0x0  }
0x98: {  	[sflag:s25] =	ssyncadd.s32 $0xFFFFD800  }
0x99: {  	[tilespmem:s31], [sflag:$0x4] =	stream.linear.gather [hbm4b:s20+s3], $0x50, $0x38;
	[tilespmem:$0x2F00] =	vst v63  }
0x9a: {  	_ =	swait.ge [sflag:s25], $0x50  }
0x9b: {  	[sflag:s25] =	ssyncset.done $0x0  }
0x9c: {  	[sflag:s25] =	ssyncadd.s32 $0xFFFFFFB0  }
0x9d: {  	[tilespmem:s1], [sflag:$0x3] =	stream.indirect.gather [hbm4b:s4+s0], $0x80, s31, s0, $0xb8;
	[tilespmem:$0x2F00] =	vst v63  }
0x9e: {  	_ =	swait.ge [sflag:s6], $0x2800  }
0x9f: {  	[sflag:s6] =	ssyncset.done $0x0  }
0xa0: {  	[sflag:s6] =	ssyncadd.s32 $0xFFFFD800  }
0xa1: {  	[hbm4b:s21+s3] =	stream.linear.scatter [tilespmem:s1], [sflag:$0x4], $0x2800, $0x38;
	[tilespmem:$0x2F00] =	vst v63  }
0xa2: {  	_ =	swait.ge [sflag:s25], $0x2800  }
0xa3: {  	[sflag:s25] =	ssyncset.done $0x0  }
0xa4: {  	[sflag:s25] =	ssyncadd.s32 $0xFFFFD800  }
0xa5: {  	[bflag:$0x0] =	sbarrier.arrive $0xFFFF  }
0xa6: {  	s13 =	rddreg [dreg:$0x6]  }
0xa7: {  	[hbm:s13], [sflag:s9] =	dma.local [spmem:s10], $0xA0  }
0xa8: {  	_ =	swait.ge [sflag:s25], $0xA0  }
0xa9: {  	s7 =	sadd.s32 $0x1, s7;
	s15 =	rddreg [dreg:$0x8]  }
0xaa: {  	p0 =	sne.s32 s7, s15  }
.Ltmp1:
0xab: {  	_ = 	snop;
	(pc) =	sbr.rel @p0 .LBB2_1-.Ltmp1, $3  }
0xac: {  	_ =	sdelay $0x1  }
0xad: {  	[sflag:s25] =	ssyncset.done $0x0  }
0xae: {  	[sflag:s25] =	ssyncadd.s32 $0xFFFFFF60  }
0xaf: {  	_ =	sfence.sel $0x180000  }
0xb0: {  	[bflag:$0x0] =	sbarrier.arrive $0xFFFF  }
0xb1: {  	_ =	strace $0x90000047  }
0xb2: {  	s0 =	stileid.u32;
	[bflag:$0x2] =	sbarrier.arrive $0xFFFF  }
0xb3: {  	p0 =	sne.s32 s0, $0x0;
	s0 =	rddreg [dreg:$0x2]  }
0xb4: {  	s0 =	sadd.s32 @!p0 $0x100000, s0  }
0xb5: {  	[sflag:s0] =	ssyncadd.tile.s32 @!p0 $0x1;
	_ =	shalt  }
.Lfunc_end2:
_tile_overlayer_lowered:
.L_overlay_start_2:
0xb6: {  	(tag) =	ssettag $0x2  }
0xb7: {  	s0 =	rddreg [dreg:$0x0];
	s2 =	stileid.u32  }
0xb8: {  	s1 =	rddreg [dreg:$0x1];
	p0 =	sne.s32 s2, $0x0  }
0xb9: {  	s3 =	rddreg [dreg:$0x2];
	[bflag:$0x3] =	sbarrier.arrive $0xFFFF;
	s2 =	simm.s32 @!p0 $0x1C04  }
0xba: {  	[timem:s3], [sflag:s2] =	dma.local @!p0 [hbm:s0], s1  }
0xbb: {  	s0 =	simm.s32 @!p0 $0x4  }
0xbc: {  	_ =	swait.ge @!p0 [sflag:s0], s1  }
0xbd: {  	s1 =	ssub.s32 @!p0 $0x0, s1;
	[sflag:s0] =	ssyncset.done @!p0 $0x0  }
0xbe: {  	[sflag:s0] =	ssyncadd.s32 @!p0 s1  }
0xbf: {  	[bflag:$0x3] =	sbarrier.arrive $0xFFFF  }
0xc0: {  	_ =	shalt  }

// kernel: kernel.9.cloned.1.call-start
scs
__scs_entry_jumppad:
0x0: {  	(pc) =	sbr.rel $0x88, $3  }
0x1: {  	(tag) =	ssettag $0x0;
	lr =	simm.s32 $0x1  }
0x2: {  	[smem:$0x3F9B] =	sst lr;
	_ =	strace $0xD0000000  }
0x3: {  	_ = 	snop  }
0x4: {  	_ = 	snop  }
0x5: {  	_ = 	snop  }
0x6: {  	_ = 	snop  }
0x7: {  	_ = 	snop  }
__scs_overlays_trampoline_lowered:
0x8: {  	[smem:$0x3FAA] =	sst s0  }
0x9: {  	[smem:$0x3FAB] =	sst s1  }
0xa: {  	[smem:$0x3FAC] =	sst s2  }
0xb: {  	[smem:$0x3FAD] =	sst s3  }
0xc: {  	[smem:$0x3FAE] =	sst s4  }
0xd: {  	[smem:$0x3FAF] =	sst s5  }
0xe: {  	[smem:$0x3FB0] =	sst s6  }
0xf: {  	[smem:$0x3FB1] =	sst s7  }
0x10: {  	[smem:$0x3FB2] =	sst s8  }
0x11: {  	[smem:$0x3FB3] =	sst s9;
	s0 =	simm.s32 @!p0 $0x0  }
0x12: {  	s1 =	sld [smem:$0x3F99];
	s0 =	simm.s32 @p0 $0x1  }
0x13: {  	[smem:$0x3FB4] =	sst s0;
	s0 =	simm.s32 @!p1 $0x0  }
0x14: {  	s2 =	sld [smem:$0x3F98];
	s0 =	simm.s32 @p1 $0x1  }
0x15: {  	[smem:$0x3FB5] =	sst s0;
	s0 =	simm.s32 @!p2 $0x0  }
0x16: {  	s3 =	sld [smem:$0x3FDB];
	s0 =	simm.s32 @p2 $0x1  }
0x17: {  	s4 =	simm.s32 $0x1BF5;
	[smem:$0x3FB7] =	sst s0  }
0x18: {  	s0 =	sld [smem:$0x3F9A];
	_ =	swait.ge [sflag:s4], $0x0  }
0x19: {  	s7 =	sld [smem:$0x3F9B]  }
0x1a: {  	s8 =	sadd.s32 $0xFFFFE003, lr  }
0x1b: {  	s9 =	sadd.s32 $0xFFFFFEF7, lr;
	s5 =	simm.s32 $0xFFFFFFFF;
	p2 =	slt.u32 s8, $0xFFFFF086  }
0x1c: {  	p1 =	slt.u32 s9, $0xF7A;
	s5 =	simm.s32 @!p2 $0x0  }
0x1d: {  	s5 =	simm.s32 @p1 $0x1;
	p0 =	seq.s32 s7, s2  }
0x1e: {  	s7 =	smul.u32 @!p0 $0xF7A, s2;
	p2 =	seq.s32 @!p0 s5, $0x0  }
0x1f: {  	s9 =	smul.u32 $0xF7A, s1;
	s8 =	simm.s32 @!p0 $0x1BF5;
	p2 =	por !p2, p0  }
0x20: {  	[sflag:s8] =	ssyncset.s32 @!p0 $0xFFFFF086;
	s6 =	sadd.s32 @!p0 s3, s7;
	s7 =	simm.s32 @!p0 $0x108  }
0x21: {  	s3 =	sadd.s32 s3, s9;
	s6 =	sadd.s32 @!p0 $0x88, s6;
	s7 =	simm.s32 @p2 $0x1082  }
0x22: {  	[simem:s7], [sflag:s8] =	dma.local @!p0 [hbm:s6], $0xF7A  }
0x23: {  	s9 =	sor.u32 $0xD0000000, s2;
	s6 =	simm.s32 $0x108;
	_ =	swait.ge @!p0 [sflag:s8], $0x0  }
0x24: {  	s3 =	sadd.s32 $0x88, s3;
	s6 =	simm.s32 @!p1 $0x1082;
	[sflag:s4] =	ssyncset.s32 $0xFFFFF086  }
0x25: {  	[simem:s6], [sflag:s4] =	dma.local [hbm:s3], $0xF7A  }
0x26: {  	[smem:$0x3F9B] =	sst s1;
	(tag) =	ssettag s2;
	_ =	strace s9  }
0x27: {  	s1 =	sld [smem:$0x3FAB]  }
0x28: {  	s2 =	sld [smem:$0x3FAC]  }
0x29: {  	s4 =	sld [smem:$0x3FAE]  }
0x2a: {  	p0 =	seq.s32 s5, $0x0;
	s5 =	sld [smem:$0x3FAF]  }
0x2b: {  	s6 =	sld [smem:$0x3FB0]  }
0x2c: {  	s7 =	sld [smem:$0x3FB1]  }
0x2d: {  	s3 =	simm.s32 $0x108;
	s8 =	sld [smem:$0x3FB2]  }
0x2e: {  	s3 =	simm.s32 @!p0 $0x1082;
	s9 =	sld [smem:$0x3FB3]  }
0x2f: {  	lr =	sadd.s32 s0, s3;
	s0 =	sld [smem:$0x3FAA]  }
0x30: {  	s3 =	sld [smem:$0x3FAD]  }
0x31: {  	[smem:$0x3FB6] =	sst s10  }
0x32: {  	s10 =	sld [smem:$0x3FB4];
	_ =	sdelay $0x3  }
0x33: {  	p0 =	seq.s32 s10, $0x1;
	s10 =	sld [smem:$0x3FB6];
	_ =	sdelay $0x3  }
0x34: {  	[smem:$0x3FB6] =	sst s10  }
0x35: {  	s10 =	sld [smem:$0x3FB5];
	_ =	sdelay $0x3  }
0x36: {  	p1 =	seq.s32 s10, $0x1;
	s10 =	sld [smem:$0x3FB6];
	_ =	sdelay $0x3  }
0x37: {  	[smem:$0x3FB6] =	sst s10  }
0x38: {  	s10 =	sld [smem:$0x3FB7]  }
0x39: {  	_ = 	snop;
	(pc) =	sbr.ind lr, $3  }
0x3a: {  	_ = 	snop  }
0x3b: {  	_ = 	snop  }
0x3c: {  	p2 =	seq.s32 s10, $0x1;
	s10 =	sld [smem:$0x3FB6]  }
0x3d: {  	_ =	shalt  }
0x3e: {  	_ =	shalt  }
0x3f: {  	_ =	shalt  }
0x40: {  	_ =	shalt  }
0x41: {  	_ =	shalt  }
0x42: {  	_ =	shalt  }
0x43: {  	_ =	shalt  }
0x44: {  	_ =	shalt  }
0x45: {  	_ =	shalt  }
0x46: {  	_ =	shalt  }
0x47: {  	_ =	shalt  }
0x48: {  	_ =	shalt  }
0x49: {  	_ =	shalt  }
0x4a: {  	_ =	shalt  }
0x4b: {  	_ =	shalt  }
0x4c: {  	_ =	shalt  }
0x4d: {  	_ =	shalt  }
0x4e: {  	_ =	shalt  }
0x4f: {  	_ =	shalt  }
0x50: {  	_ =	shalt  }
0x51: {  	_ =	shalt  }
0x52: {  	_ =	shalt  }
0x53: {  	_ =	shalt  }
0x54: {  	_ =	shalt  }
0x55: {  	_ =	shalt  }
0x56: {  	_ =	shalt  }
0x57: {  	_ =	shalt  }
0x58: {  	_ =	shalt  }
0x59: {  	_ =	shalt  }
0x5a: {  	_ =	shalt  }
0x5b: {  	_ =	shalt  }
0x5c: {  	_ =	shalt  }
0x5d: {  	_ =	shalt  }
0x5e: {  	_ =	shalt  }
0x5f: {  	_ =	shalt  }
0x60: {  	_ =	shalt  }
0x61: {  	_ =	shalt  }
0x62: {  	_ =	shalt  }
0x63: {  	_ =	shalt  }
0x64: {  	_ =	shalt  }
0x65: {  	_ =	shalt  }
0x66: {  	_ =	shalt  }
0x67: {  	_ =	shalt  }
0x68: {  	_ =	shalt  }
0x69: {  	_ =	shalt  }
0x6a: {  	_ =	shalt  }
0x6b: {  	_ =	shalt  }
0x6c: {  	_ =	shalt  }
0x6d: {  	_ =	shalt  }
0x6e: {  	_ =	shalt  }
0x6f: {  	_ =	shalt  }
0x70: {  	_ =	shalt  }
0x71: {  	_ =	shalt  }
0x72: {  	_ =	shalt  }
0x73: {  	_ =	shalt  }
0x74: {  	_ =	shalt  }
0x75: {  	_ =	shalt  }
0x76: {  	_ =	shalt  }
0x77: {  	_ =	shalt  }
0x78: {  	_ =	shalt  }
0x79: {  	_ =	shalt  }
0x7a: {  	_ =	shalt  }
0x7b: {  	_ =	shalt  }
0x7c: {  	_ =	shalt  }
0x7d: {  	_ =	shalt  }
0x7e: {  	_ =	shalt  }
0x7f: {  	_ =	shalt  }
0x80: {  	_ =	shalt  }
0x81: {  	_ =	shalt  }
0x82: {  	_ =	shalt  }
0x83: {  	_ =	shalt  }
0x84: {  	_ =	shalt  }
0x85: {  	_ =	shalt  }
0x86: {  	_ =	shalt  }
0x87: {  	_ =	shalt  }
.Lfunc_end0:
.L_simem_size_0:
called_computation.1_lowered:
.L_overlay_start_0:
0x88: {  	s2 =	sld [smem:$0x3FD9]  }
0x89: {  	s3 =	sld [smem:$0x3FFE];
	_ =	sdelay $0x1  }
0x8a: {  	s1 =	srdreg.scid  }
0x8b: {  	s0 =	sand.u32 $0x1, s1  }
0x8c: {  	s16 =	sshll.u32 s0, $0xA;
	s2 =	sadd.s32 s3, s2  }
0x8d: {  	s2 =	sadd.s32 s2, s16  }
0x8e: {  	[smem:$0x3FC2] =	sst s2  }
0x8f: {  	_ = 	snop  }
0x90: {  	(tm) =	ssettm $0x1  }
0x91: {  	s17 =	sld [smem:$0x3FFB];
	_ =	sdelay $0x3  }
0x92: {  	_ =	strace s17  }
0x93: {  	s2 =	sld [smem:$0x3FFC];
	_ =	sdelay $0x3  }
0x94: {  	_ =	strace s2  }
0x95: {  	s2 =	sld [smem:$0x3FFD];
	_ =	sdelay $0x3  }
0x96: {  	_ =	strace s2  }
0x97: {  	_ =	strace $0x8FFFFFFF  }
0x98: {  	s18 =	sld [smem:$0x3FDB];
	_ =	sdelay $0x1  }
0x99: {  	s19 =	simm.s32 $_scs_section_size  }
0x9a: {  	s4 =	simm.s32 $_size__tile_overlayer_lowered;
	s5 =	simm.s32 $_tile_overlayer_lowered  }
0x9b: {  	s22 =	simm.s32 $0x1BFF;
	s21 =	sshll.u32 s5, $0x1;
	s2 =	sadd.s32 s19, s18  }
0x9c: {  	s6 =	simm.s32 $0x0;
	s20 =	sshll.u32 s4, $0x1;
	s4 =	sadd.s32 s21, s2  }
0x9d: {  	[timem:s6], [sflag:s22] =	dma.local [hbm:s4], s20  }
0x9e: {  	_ =	swait.ge [sflag:s22], s20  }
0x9f: {  	s3 =	ssub.s32 $0x0, s20;
	[sflag:s22] =	ssyncset.done $0x0  }
0xa0: {  	[sflag:s22] =	ssyncadd.s32 s3;
	_ =	sdelay $0x1  }
0xa1: {  	s23 =	simm.s32 $0x1B8B  }
0xa2: {  	_ =	swait.ge [sflag:s23], $0x1  }
0xa3: {  	[sflag:s23] =	ssyncset.done $0x0  }
0xa4: {  	s25 =	simm.s32 $0x1B8E;
	s24 =	sld [smem:$0x3FFE];
	[sflag:s23] =	ssyncadd.s32 $0xFFFFFFFF  }
0xa5: {  	s26 =	simm.s32 $execute0_lowered;
	[smem:$0x3FD2] =	sst s25  }
0xa6: {  	s4 =	sshll.u32 s26, $0x1;
	_ =	strace $0x80000049;
	[dreg:$0x1] =	wrdreg $0xFFFFFFFF  }
0xa7: {  	s28 =	simm.s32 $_size_execute0_lowered;
	s2 =	sadd.s32 s2, s4;
	[dreg:$0x0] =	wrdreg $0x0  }
0xa8: {  	s4 =	sshll.u32 s28, $0x1;
	[dreg:$0x2] =	wrdreg s2  }
0xa9: {  	[dreg:$0x3] =	wrdreg s4  }
0xaa: {  	[dreg:$0x4] =	wrdreg $0xC0  }
0xab: {  	_ =	task [dreg:s6], $0x5FFFF  }
0xac: {  	[dreg:$0x1] =	wrdreg $0xFFFFFFFF  }
0xad: {  	[dreg:$0x0] =	wrdreg $0x60  }
0xae: {  	[dreg:$0x2] =	wrdreg s24  }
0xaf: {  	[dreg:$0x3] =	wrdreg $0x82000  }
0xb0: {  	[dreg:$0x4] =	wrdreg $0x9  }
0xb1: {  	_ =	task.clear_ibuf [dreg:s6], $0x5FFFF;
	_ =	strace $0x90000049  }
0xb2: {  	s29 =	simm.s32 $0x9;
	_ =	strace $0x8000004B  }
0xb3: {  	_ =	swait.ge [sflag:s29], $0x1  }
0xb4: {  	[sflag:s29] =	ssyncadd.s32 $0xFFFFFFFF  }
0xb5: {  	_ =	strace $0x9000004B  }
0xb6: {  	_ =	sfence  }
0xb7: {  	s30 =	sld [smem:$0x0];
	_ =	sdelay $0x2  }
0xb8: {  	s31 =	sshll.u32 s1, $0xD;
	s1 =	sshrl.u32 s1, $0x2  }
0xb9: {  	s3 =	sand.u32 $0x4000, s31;
	s1 =	sadd.s32 s1, s30  }
0xba: {  	s0 =	sor.u32 s3, s0;
	s1 =	sshll.u32 s1, $0x11  }
0xbb: {  	s0 =	sor.u32 s1, s0  }
0xbc: {  	s0 =	sadd.s32 $0x8F2B, s0  }
0xbd: {  	[sflag:s0] =	ssyncadd.remote.s32 $0x1  }
0xbe: {  	_ =	sfence.sel $0xFFFF  }
0xbf: {  	[dreg:$0x0] =	wrdreg $0xFFFFFFFF;
	(pc) =	sbr.abs _section_cstart, $3  }
0xc0: {  	[dreg:$0x1] =	wrdreg $0xFFFFFFFF  }
0xc1: {  	_ =	task.clear_ibuf [dreg:s6], $0x2FFFF;
	_ =	strace $0x9FFFFFFF  }
0xc2: {  	(tm) =	ssettm $0x7FFFFFFF  }
0xc3: {  	_ =	shalt  }
tec
execute0_lowered:
.L_overlay_start_1:
0x0: {  	(tag) =	ssettag $0x1  }
0x1: {  	s0 =	rddreg [dreg:$0x0]  }
0x2: {  	s1 =	rddreg [dreg:$0x1]  }
0x3: {  	s2 =	simm.s32 $0x0;
	s3 =	srdreg.scid;
	s18 =	stileid.u32  }
0x4: {  	[smem:$0x7FF] =	sst s2;
	s4 =	sadd.s32 $0x125800, s0;
	s7 =	smul.u32 $0x50000, s18  }
0x5: {  	s5 =	sadd.s32 $0x48600, s0;
	s9 =	sadd.s32 $0x2C00, s0;
	s12 =	smul.u32 $0x4F00, s18  }
0x6: {  	s3 =	sand.u32 $0x1, s3;
	s6 =	sadd.s32 $0x5C200, s0;
	s13 =	smul.u32 $0x280, s18  }
0x7: {  	s0 =	sadd.s32 $0x175800, s0;
	s26 =	sshll.u32 s18, $0x6;
	s24 =	smul.u32 $0x9E0, s18  }
0x8: {  	_ =	strace $0x8000004A;
	s8 =	ssub.s32 $0x2, s3;
	s10 =	smul.u32 $0x4F000, s3  }
0x9: {  	s3 =	smul.u32 $0x2800, s3;
	s11 =	sshrl.u32 s8, $0x1;
	s7 =	sshrl.u32 s7, $0x2  }
0xa: {  	s16 =	sadd.s32 $0x80, s13;
	s19 =	sadd.s32 $0x100, s13;
	s11 =	ssub.s32 s8, s11  }
0xb: {  	s7 =	sadd.s32 s7, s1;
	s10 =	sadd.s32 s12, s10;
	s12 =	sshrl.u32 s12, $0x3  }
0xc: {  	s8 =	sor.u32 $0x1C03, s26;
	s15 =	sadd.s32 s3, s13;
	s22 =	sshll.u32 s19, $0x7  }
0xd: {  	s14 =	sshrl.u32 s10, $0x3;
	s21 =	sadd.s32 s9, s12;
	s11 =	smax.u32 s11, $0x1  }
0xe: {  	s12 =	sshll.u32 s16, $0x7;
	s25 =	sadd.s32 $0x8000, s7;
	s18 =	sadd.s32 $0xC000, s7  }
0xf: {  	s20 =	sadd.s32 s5, s14;
	[dreg:$0x3] =	wrdreg s11;
	s14 =	sadd.s32 $0x4000, s7  }
0x10: {  	s11 =	sshll.u32 s15, $0x4;
	s15 =	sadd.s32 s3, s16;
	s16 =	sadd.s32 $0x180, s13  }
0x11: {  	s13 =	sadd.s32 $0x200, s13;
	s12 =	sadd.s32 s12, s1;
	s30 =	sadd.s32 $0x10, s21  }
0x12: {  	s29 =	smov.u32 s21;
	s11 =	sadd.s32 s0, s11;
	s17 =	sshll.u32 s15, $0x4  }
0x13: {  	s15 =	sadd.s32 s3, s19;
	[dreg:$0x9] =	wrdreg s12;
	s26 =	sshll.u32 s16, $0x7  }
0x14: {  	s19 =	sadd.s32 s24, s9;
	s12 =	sadd.s32 $0x180, s10;
	s24 =	sadd.s32 $0x10000, s7  }
0x15: {  	s31 =	sadd.s32 $0x9D0, s20;
	s28 =	smov.u32 s20;
	[dreg:$0x4] =	wrdreg s11  }
0x16: {  	s11 =	sadd.s32 s0, s17;
	s15 =	sshll.u32 s15, $0x4;
	s17 =	sadd.s32 s3, s16  }
0x17: {  	s3 =	sadd.s32 s3, s13;
	s16 =	sshll.u32 s13, $0x7;
	s13 =	simm.s32 $0x100  }
0x18: {  	[dreg:$0x5] =	wrdreg s11;
	s15 =	sadd.s32 s0, s15;
	s23 =	sshll.u32 s17, $0x4  }
0x19: {  	s3 =	sshll.u32 s3, $0x4;
	s11 =	sadd.s32 s22, s1;
	s9 =	sadd.s32 s16, s1  }
0x1a: {  	s22 =	sadd.s32 $0x100, s10;
	s17 =	sshrl.u32 s14, $0x3;
	[dreg:$0x6] =	wrdreg s15  }
0x1b: {  	s14 =	simm.s32 $0x80;
	s16 =	simm.s32 $0x180;
	[dreg:$0xa] =	wrdreg s11  }
0x1c: {  	s10 =	simm.s32 $0x0;
	s15 =	sadd.s32 s0, s23;
	[dreg:$0xc] =	wrdreg s9  }
0x1d: {  	s0 =	sadd.s32 s0, s3;
	[dreg:$0xd] =	wrdreg s17;
	s3 =	sshrl.u32 s25, $0x3  }
0x1e: {  	s25 =	sshrl.u32 s24, $0x3;
	s11 =	sadd.s32 $0x9C0, s21;
	[dreg:$0x7] =	wrdreg s15  }
0x1f: {  	s17 =	simm.s32 $0x4200;
	s9 =	simm.s32 $0x2;
	[dreg:$0x8] =	wrdreg s0  }
0x20: {  	s15 =	sadd.s32 s26, s1;
	s0 =	sshrl.u32 s12, $0x3;
	[dreg:$0xe] =	wrdreg s3  }
0x21: {  	[dreg:$0x10] =	wrdreg s25;
	s26 =	sadd.s32 $0x10, s20;
	s3 =	sadd.s32 $0x9C0, s20  }
0x22: {  	s12 =	simm.s32 $0x3;
	[dreg:$0xb] =	wrdreg s15;
	s23 =	sadd.s32 s0, s5  }
0x23: {  	s0 =	sshrl.u32 s18, $0x3;
	[dreg:$0x11] =	wrdreg s26;
	s15 =	simm.s32 $0x200  }
0x24: {  	s18 =	simm.s32 $0x1;
	[dreg:$0xf] =	wrdreg s0;
	s0 =	sadd.s32 $0x9D0, s21  }
.LBB2_1:
0x25: {  	s20 =	sshrl.u32 s7, $0x3  }
0x26: {  	[spmem:s20], [sflag:s8] =	dma.local [hbm:s6], $0x800  }
0x27: {  	_ =	swait.ge [sflag:s12], $0x800  }
0x28: {  	[sflag:s12] =	ssyncset.done $0x0  }
0x29: {  	s21 =	rddreg [dreg:$0xd];
	[sflag:s12] =	ssyncadd.s32 $0xFFFFF800  }
0x2a: {  	[spmem:s21], [sflag:s8] =	dma.local [hbm:s6], $0x800  }
0x2b: {  	_ =	swait.ge [sflag:s12], $0x800  }
0x2c: {  	[sflag:s12] =	ssyncset.done $0x0  }
0x2d: {  	s24 =	rddreg [dreg:$0xe];
	[sflag:s12] =	ssyncadd.s32 $0xFFFFF800  }
0x2e: {  	[spmem:s24], [sflag:s8] =	dma.local [hbm:s6], $0x800  }
0x2f: {  	_ =	swait.ge [sflag:s12], $0x800  }
0x30: {  	[sflag:s12] =	ssyncset.done $0x0  }
0x31: {  	s25 =	rddreg [dreg:$0xf];
	[sflag:s12] =	ssyncadd.s32 $0xFFFFF800  }
0x32: {  	[spmem:s25], [sflag:s8] =	dma.local [hbm:s6], $0x800  }
0x33: {  	_ =	swait.ge [sflag:s12], $0x800  }
0x34: {  	[sflag:s12] =	ssyncset.done $0x0  }
0x35: {  	s26 =	rddreg [dreg:$0x10];
	[sflag:s12] =	ssyncadd.s32 $0xFFFFF800  }
0x36: {  	[spmem:s26], [sflag:s8] =	dma.local [hbm:s6], $0x800  }
0x37: {  	_ =	swait.ge [sflag:s12], $0x800  }
0x38: {  	[sflag:s12] =	ssyncset.done $0x0  }
0x39: {  	[sflag:s12] =	ssyncadd.s32 $0xFFFFF800  }
0x3a: {  	[bflag:$0x0] =	sbarrier.arrive $0xFFFF  }
0x3b: {  	[tilespmem:s2], [sflag:$0x3] =	stream.linear.gather [hbm4b:s28+s2], $0x80, $0x38;
	[tilespmem:$0x1C200] =	vst v63  }
0x3c: {  	_ =	swait.ge [sflag:s12], $0x80  }
0x3d: {  	[sflag:s12] =	ssyncset.done $0x0  }
0x3e: {  	[sflag:s12] =	ssyncadd.s32 $0xFFFFFF80  }
0x3f: {  	[tilespmem:s13], [sflag:$0x3] =	stream.linear.gather [hbm4b:s29+s2], $0x80, $0x38;
	[tilespmem:$0x1C200] =	vst v63  }
0x40: {  	_ =	swait.ge [sflag:s12], $0x80  }
0x41: {  	[sflag:s12] =	ssyncset.done $0x0  }
0x42: {  	[sflag:s12] =	ssyncadd.s32 $0xFFFFFF80  }
0x43: {  	[tilespmem:s15], [sflag:$0x1] =	stream.indirect.gather [hbm4b:s4+s14], $0x80, s2, s14, $0xb8;
	[tilespmem:$0x1C200] =	vst v63  }
0x44: {  	s21 =	rddreg [dreg:$0x11]  }
0x45: {  	[tilespmem:s14], [sflag:$0x3] =	stream.linear.gather [hbm4b:s21+s2], $0x80, $0x38;
	[tilespmem:$0x1C200] =	vst v63  }
0x46: {  	_ =	swait.ge [sflag:s12], $0x80  }
0x47: {  	[sflag:s12] =	ssyncset.done $0x0  }
0x48: {  	[sflag:s12] =	ssyncadd.s32 $0xFFFFFF80  }
0x49: {  	[tilespmem:s16], [sflag:$0x3] =	stream.linear.gather [hbm4b:s30+s2], $0x80, $0x38;
	[tilespmem:$0x1C200] =	vst v63  }
0x4a: {  	_ =	swait.ge [sflag:s12], $0x80  }
0x4b: {  	[sflag:s12] =	ssyncset.done $0x0  }
0x4c: {  	[sflag:s12] =	ssyncadd.s32 $0xFFFFFF80  }
0x4d: {  	[tilespmem:s17], [sflag:$0x2] =	stream.indirect.gather [hbm4b:s4+s14], $0x80, s14, s14, $0xb8;
	[tilespmem:$0x1C200] =	vst v63  }
0x4e: {  	_ =	swait.ge [sflag:s18], $0x4000  }
0x4f: {  	[sflag:s18] =	ssyncset.done $0x0  }
0x50: {  	[sflag:s18] =	ssyncadd.s32 $0xFFFFC000  }
0x51: {  	[spmem:s1] =	stream.indirect.scatter.add.f32 [tilespmem:s15], [sflag:$0x3], $0x80, s13, s14, $0xb8;
	[tilespmem:$0x1C200] =	vst v63  }
0x52: {  	_ =	swait.ge [sflag:s12], $0x4000  }
0x53: {  	s24 =	sshrl.u32 s22, $0x3;
	[sflag:s12] =	ssyncset.done $0x0  }
0x54: {  	s20 =	sadd.s32 s5, s24;
	[sflag:s12] =	ssyncadd.s32 $0xFFFFC000  }
0x55: {  	[tilespmem:s2], [sflag:$0x3] =	stream.linear.gather [hbm4b:s20+s2], $0x80, $0x38;
	[tilespmem:$0x1C200] =	vst v63  }
0x56: {  	_ =	swait.ge [sflag:s12], $0x80  }
0x57: {  	s25 =	sadd.s32 $0x0, s19;
	[sflag:s12] =	ssyncset.done $0x0  }
0x58: {  	s21 =	sadd.s32 $0x20, s25;
	[sflag:s12] =	ssyncadd.s32 $0xFFFFFF80  }
0x59: {  	[tilespmem:s13], [sflag:$0x3] =	stream.linear.gather [hbm4b:s21+s2], $0x80, $0x38;
	[tilespmem:$0x1C200] =	vst v63  }
0x5a: {  	_ =	swait.ge [sflag:s12], $0x80  }
0x5b: {  	[sflag:s12] =	ssyncset.done $0x0  }
0x5c: {  	[sflag:s12] =	ssyncadd.s32 $0xFFFFFF80  }
0x5d: {  	[tilespmem:s15], [sflag:$0x1] =	stream.indirect.gather [hbm4b:s4+s14], $0x80, s2, s14, $0xb8;
	[tilespmem:$0x1C200] =	vst v63  }
0x5e: {  	_ =	swait.ge [sflag:s9], $0x4000  }
0x5f: {  	[sflag:s9] =	ssyncset.done $0x0  }
0x60: {  	[sflag:s9] =	ssyncadd.s32 $0xFFFFC000  }
0x61: {  	[spmem:s1] =	stream.indirect.scatter.add.f32 [tilespmem:s17], [sflag:$0x3], $0x80, s16, s14, $0xb8;
	[tilespmem:$0x1C200] =	vst v63  }
0x62: {  	_ =	swait.ge [sflag:s12], $0x4000  }
0x63: {  	[sflag:s12] =	ssyncset.done $0x0  }
0x64: {  	s26 =	sadd.s32 $0x0, s23;
	[sflag:s12] =	ssyncadd.s32 $0xFFFFC000  }
0x65: {  	[tilespmem:s14], [sflag:$0x3] =	stream.linear.gather [hbm4b:s26+s2], $0x80, $0x38;
	[tilespmem:$0x1C200] =	vst v63  }
0x66: {  	_ =	swait.ge [sflag:s12], $0x80  }
0x67: {  	[sflag:s12] =	ssyncset.done $0x0  }
0x68: {  	s20 =	sadd.s32 $0x30, s25;
	[sflag:s12] =	ssyncadd.s32 $0xFFFFFF80  }
0x69: {  	[tilespmem:s16], [sflag:$0x3] =	stream.linear.gather [hbm4b:s20+s2], $0x80, $0x38;
	[tilespmem:$0x1C200] =	vst v63  }
0x6a: {  	_ =	swait.ge [sflag:s12], $0x80  }
0x6b: {  	[sflag:s12] =	ssyncset.done $0x0  }
0x6c: {  	s21 =	sadd.s32 $0x100, s22;
	s20 =	simm.s32 $0x20;
	[sflag:s12] =	ssyncadd.s32 $0xFFFFFF80  }
.LBB2_2:
0x6d: {  	[tilespmem:s17], [sflag:$0x2] =	stream.indirect.gather [hbm4b:s4+s14], $0x80, s14, s14, $0xb8;
	[tilespmem:$0x1C200] =	vst v63  }
0x6e: {  	s24 =	smov.u32 s20  }
0x6f: {  	p0 =	sne.s32 s20, $0x980;
	s20 =	sadd.s32 $0x20, s20;
	_ =	swait.ge [sflag:s18], $0x4000  }
0x70: {  	[sflag:s18] =	ssyncset.done $0x0  }
0x71: {  	[sflag:s18] =	ssyncadd.s32 $0xFFFFC000  }
0x72: {  	[spmem:s1] =	stream.indirect.scatter.add.f32 [tilespmem:s15], [sflag:$0x3], $0x80, s13, s14, $0xb8;
	[tilespmem:$0x1C200] =	vst v63  }
0x73: {  	_ =	swait.ge [sflag:s12], $0x4000  }
0x74: {  	s25 =	sshrl.u32 s21, $0x3;
	[sflag:s12] =	ssyncset.done $0x0  }
0x75: {  	s25 =	sadd.s32 s5, s25;
	[sflag:s12] =	ssyncadd.s32 $0xFFFFC000  }
0x76: {  	[tilespmem:s2], [sflag:$0x3] =	stream.linear.gather [hbm4b:s25+s2], $0x80, $0x38;
	[tilespmem:$0x1C200] =	vst v63  }
0x77: {  	_ =	swait.ge [sflag:s12], $0x80  }
0x78: {  	s25 =	sadd.s32 s24, s19;
	[sflag:s12] =	ssyncset.done $0x0  }
0x79: {  	s26 =	sadd.s32 $0x20, s25;
	[sflag:s12] =	ssyncadd.s32 $0xFFFFFF80  }
0x7a: {  	[tilespmem:s13], [sflag:$0x3] =	stream.linear.gather [hbm4b:s26+s2], $0x80, $0x38;
	[tilespmem:$0x1C200] =	vst v63  }
0x7b: {  	_ =	swait.ge [sflag:s12], $0x80  }
0x7c: {  	[sflag:s12] =	ssyncset.done $0x0  }
0x7d: {  	[sflag:s12] =	ssyncadd.s32 $0xFFFFFF80  }
0x7e: {  	[tilespmem:s15], [sflag:$0x1] =	stream.indirect.gather [hbm4b:s4+s14], $0x80, s2, s14, $0xb8;
	[tilespmem:$0x1C200] =	vst v63  }
0x7f: {  	_ =	swait.ge [sflag:s9], $0x4000  }
0x80: {  	[sflag:s9] =	ssyncset.done $0x0  }
0x81: {  	[sflag:s9] =	ssyncadd.s32 $0xFFFFC000  }
0x82: {  	[spmem:s1] =	stream.indirect.scatter.add.f32 [tilespmem:s17], [sflag:$0x3], $0x80, s16, s14, $0xb8;
	[tilespmem:$0x1C200] =	vst v63  }
0x83: {  	_ =	swait.ge [sflag:s12], $0x4000  }
0x84: {  	[sflag:s12] =	ssyncset.done $0x0  }
0x85: {  	s24 =	sadd.s32 s24, s23;
	[sflag:s12] =	ssyncadd.s32 $0xFFFFC000  }
0x86: {  	[tilespmem:s14], [sflag:$0x3] =	stream.linear.gather [hbm4b:s24+s2], $0x80, $0x38;
	[tilespmem:$0x1C200] =	vst v63  }
0x87: {  	_ =	swait.ge [sflag:s12], $0x80  }
0x88: {  	[sflag:s12] =	ssyncset.done $0x0  }
.Ltmp0:
0x89: {  	s24 =	sadd.s32 $0x30, s25;
	[sflag:s12] =	ssyncadd.s32 $0xFFFFFF80;
	(pc) =	sbr.rel @p0 .LBB2_2-.Ltmp0, $4  }
0x8a: {  	[tilespmem:s16], [sflag:$0x3] =	stream.linear.gather [hbm4b:s24+s2], $0x80, $0x38;
	[tilespmem:$0x1C200] =	vst v63  }
0x8b: {  	_ =	swait.ge [sflag:s12], $0x80  }
0x8c: {  	[sflag:s12] =	ssyncset.done $0x0  }
0x8d: {  	s21 =	sadd.s32 $0x100, s21;
	[sflag:s12] =	ssyncadd.s32 $0xFFFFFF80  }
0x8e: {  	[tilespmem:s17], [sflag:$0x2] =	stream.indirect.gather [hbm4b:s4+s14], $0x80, s14, s14, $0xb8;
	[tilespmem:$0x1C200] =	vst v63  }
0x8f: {  	_ =	swait.ge [sflag:s18], $0x4000  }
0x90: {  	[sflag:s18] =	ssyncset.done $0x0  }
0x91: {  	[sflag:s18] =	ssyncadd.s32 $0xFFFFC000  }
0x92: {  	[spmem:s1] =	stream.indirect.scatter.add.f32 [tilespmem:s15], [sflag:$0x3], $0x80, s13, s14, $0xb8;
	[tilespmem:$0x1C200] =	vst v63  }
0x93: {  	_ =	swait.ge [sflag:s12], $0x4000  }
0x94: {  	[sflag:s12] =	ssyncset.done $0x0  }
0x95: {  	[sflag:s12] =	ssyncadd.s32 $0xFFFFC000  }
0x96: {  	[tilespmem:s2], [sflag:$0x3] =	stream.linear.gather [hbm4b:s3+s2], $0x80, $0x38;
	[tilespmem:$0x1C200] =	vst v63  }
0x97: {  	_ =	swait.ge [sflag:s12], $0x80  }
0x98: {  	[sflag:s12] =	ssyncset.done $0x0  }
0x99: {  	[sflag:s12] =	ssyncadd.s32 $0xFFFFFF80  }
0x9a: {  	[tilespmem:s13], [sflag:$0x3] =	stream.linear.gather [hbm4b:s11+s2], $0x80, $0x38;
	[tilespmem:$0x1C200] =	vst v63  }
0x9b: {  	_ =	swait.ge [sflag:s12], $0x80  }
0x9c: {  	[sflag:s12] =	ssyncset.done $0x0  }
0x9d: {  	[sflag:s12] =	ssyncadd.s32 $0xFFFFFF80  }
0x9e: {  	[tilespmem:s15], [sflag:$0x1] =	stream.indirect.gather [hbm4b:s4+s14], $0x80, s2, s14, $0xb8;
	[tilespmem:$0x1C200] =	vst v63  }
0x9f: {  	_ =	swait.ge [sflag:s9], $0x4000  }
0xa0: {  	[sflag:s9] =	ssyncset.done $0x0  }
0xa1: {  	[sflag:s9] =	ssyncadd.s32 $0xFFFFC000  }
0xa2: {  	[spmem:s1] =	stream.indirect.scatter.add.f32 [tilespmem:s17], [sflag:$0x3], $0x80, s16, s14, $0xb8;
	[tilespmem:$0x1C200] =	vst v63  }
0xa3: {  	_ =	swait.ge [sflag:s12], $0x4000  }
0xa4: {  	[sflag:s12] =	ssyncset.done $0x0  }
0xa5: {  	[sflag:s12] =	ssyncadd.s32 $0xFFFFC000  }
0xa6: {  	[tilespmem:s14], [sflag:$0x3] =	stream.linear.gather [hbm4b:s31+s2], $0x80, $0x38;
	[tilespmem:$0x1C200] =	vst v63  }
0xa7: {  	_ =	swait.ge [sflag:s12], $0x80  }
0xa8: {  	[sflag:s12] =	ssyncset.done $0x0  }
0xa9: {  	[sflag:s12] =	ssyncadd.s32 $0xFFFFFF80  }
0xaa: {  	[tilespmem:s16], [sflag:$0x3] =	stream.linear.gather [hbm4b:s0+s2], $0x80, $0x38;
	[tilespmem:$0x1C200] =	vst v63  }
0xab: {  	_ =	swait.ge [sflag:s12], $0x80  }
0xac: {  	[sflag:s12] =	ssyncset.done $0x0  }
0xad: {  	[sflag:s12] =	ssyncadd.s32 $0xFFFFFF80  }
0xae: {  	[tilespmem:s17], [sflag:$0x2] =	stream.indirect.gather [hbm4b:s4+s14], $0x80, s14, s14, $0xb8;
	[tilespmem:$0x1C200] =	vst v63  }
0xaf: {  	_ =	swait.ge [sflag:s18], $0x4000  }
0xb0: {  	[sflag:s18] =	ssyncset.done $0x0  }
0xb1: {  	[sflag:s18] =	ssyncadd.s32 $0xFFFFC000  }
0xb2: {  	[spmem:s1] =	stream.indirect.scatter.add.f32 [tilespmem:s15], [sflag:$0x3], $0x80, s13, s14, $0xb8;
	[tilespmem:$0x1C200] =	vst v63  }
0xb3: {  	_ =	swait.ge [sflag:s12], $0x4000  }
0xb4: {  	[sflag:s12] =	ssyncset.done $0x0  }
0xb5: {  	[sflag:s12] =	ssyncadd.s32 $0xFFFFC000  }
0xb6: {  	[tilespmem:s2], [sflag:$0x3] =	stream.linear.gather [hbm4b:s31+s2], $0x80, $0x38;
	[tilespmem:$0x1C200] =	vst v63  }
0xb7: {  	_ =	swait.ge [sflag:s12], $0x80  }
0xb8: {  	[sflag:s12] =	ssyncset.done $0x0  }
0xb9: {  	[sflag:s12] =	ssyncadd.s32 $0xFFFFFF80  }
0xba: {  	[tilespmem:s13], [sflag:$0x3] =	stream.linear.gather [hbm4b:s0+s2], $0x80, $0x38;
	[tilespmem:$0x1C200] =	vst v63  }
0xbb: {  	_ =	swait.ge [sflag:s12], $0x80  }
0xbc: {  	[sflag:s12] =	ssyncset.done $0x0  }
0xbd: {  	[sflag:s12] =	ssyncadd.s32 $0xFFFFFF80  }
0xbe: {  	[tilespmem:s15], [sflag:$0x1] =	stream.indirect.gather [hbm4b:s4+s14], $0x80, s2, s14, $0xb8;
	[tilespmem:$0x1C200] =	vst v63  }
0xbf: {  	_ =	swait.ge [sflag:s9], $0x4000  }
0xc0: {  	[sflag:s9] =	ssyncset.done $0x0  }
0xc1: {  	[sflag:s9] =	ssyncadd.s32 $0xFFFFC000  }
0xc2: {  	[spmem:s1] =	stream.indirect.scatter.add.f32 [tilespmem:s17], [sflag:$0x3], $0x80, s16, s14, $0xb8;
	[tilespmem:$0x1C200] =	vst v63  }
0xc3: {  	_ =	swait.ge [sflag:s12], $0x4000  }
0xc4: {  	[sflag:s12] =	ssyncset.done $0x0  }
0xc5: {  	[sflag:s12] =	ssyncadd.s32 $0xFFFFC000  }
0xc6: {  	[tilespmem:s14], [sflag:$0x3] =	stream.linear.gather [hbm4b:s31+s2], $0x80, $0x38;
	[tilespmem:$0x1C200] =	vst v63  }
0xc7: {  	_ =	swait.ge [sflag:s12], $0x80  }
0xc8: {  	[sflag:s12] =	ssyncset.done $0x0  }
0xc9: {  	[sflag:s12] =	ssyncadd.s32 $0xFFFFFF80  }
0xca: {  	[tilespmem:s16], [sflag:$0x3] =	stream.linear.gather [hbm4b:s0+s2], $0x80, $0x38;
	[tilespmem:$0x1C200] =	vst v63  }
0xcb: {  	_ =	swait.ge [sflag:s12], $0x80  }
0xcc: {  	[sflag:s12] =	ssyncset.done $0x0  }
0xcd: {  	[sflag:s12] =	ssyncadd.s32 $0xFFFFFF80  }
0xce: {  	[tilespmem:s17], [sflag:$0x2] =	stream.indirect.gather [hbm4b:s4+s14], $0x80, s14, s14, $0xb8;
	[tilespmem:$0x1C200] =	vst v63  }
0xcf: {  	_ =	swait.ge [sflag:s18], $0x4000  }
0xd0: {  	[sflag:s18] =	ssyncset.done $0x0  }
0xd1: {  	[sflag:s18] =	ssyncadd.s32 $0xFFFFC000  }
0xd2: {  	_ =	swait.ge [sflag:s9], $0x4000  }
0xd3: {  	[sflag:s9] =	ssyncset.done $0x0  }
0xd4: {  	[sflag:s9] =	ssyncadd.s32 $0xFFFFC000  }
0xd5: {  	[bflag:$0x0] =	sbarrier.arrive $0xFFFF  }
0xd6: {  	[tilespmem:s15], [sflag:$0x3] =	stream.linear.gather [spmem:s7], $0x4000, $0x38;
	[tilespmem:$0x1C200] =	vst v63  }
0xd7: {  	_ =	swait.ge [sflag:s12], $0x4000  }
0xd8: {  	[sflag:s12] =	ssyncset.done $0x0  }
0xd9: {  	s20 =	rddreg [dreg:$0x4];
	[sflag:s12] =	ssyncadd.s32 $0xFFFFC000  }
0xda: {  	[hbm4b:s20+s2] =	stream.linear.scatter [tilespmem:s15], [sflag:$0x3], $0x4000, $0x38;
	[tilespmem:$0x1C200] =	vst v63  }
0xdb: {  	_ =	swait.ge [sflag:s12], $0x4000  }
0xdc: {  	[sflag:s12] =	ssyncset.done $0x0  }
0xdd: {  	s26 =	rddreg [dreg:$0x9];
	[sflag:s12] =	ssyncadd.s32 $0xFFFFC000  }
0xde: {  	[tilespmem:s15], [sflag:$0x3] =	stream.linear.gather [spmem:s26], $0x4000, $0x38;
	[tilespmem:$0x1C200] =	vst v63  }
0xdf: {  	_ =	swait.ge [sflag:s12], $0x4000  }
0xe0: {  	[sflag:s12] =	ssyncset.done $0x0  }
0xe1: {  	s21 =	rddreg [dreg:$0x5];
	[sflag:s12] =	ssyncadd.s32 $0xFFFFC000  }
0xe2: {  	[hbm4b:s21+s2] =	stream.linear.scatter [tilespmem:s15], [sflag:$0x3], $0x4000, $0x38;
	[tilespmem:$0x1C200] =	vst v63  }
0xe3: {  	_ =	swait.ge [sflag:s12], $0x4000  }
0xe4: {  	[sflag:s12] =	ssyncset.done $0x0  }
0xe5: {  	s24 =	rddreg [dreg:$0xa];
	[sflag:s12] =	ssyncadd.s32 $0xFFFFC000  }
0xe6: {  	[tilespmem:s15], [sflag:$0x3] =	stream.linear.gather [spmem:s24], $0x4000, $0x38;
	[tilespmem:$0x1C200] =	vst v63  }
0xe7: {  	_ =	swait.ge [sflag:s12], $0x4000  }
0xe8: {  	[sflag:s12] =	ssyncset.done $0x0  }
0xe9: {  	s25 =	rddreg [dreg:$0x6];
	[sflag:s12] =	ssyncadd.s32 $0xFFFFC000  }
0xea: {  	[hbm4b:s25+s2] =	stream.linear.scatter [tilespmem:s15], [sflag:$0x3], $0x4000, $0x38;
	[tilespmem:$0x1C200] =	vst v63  }
0xeb: {  	_ =	swait.ge [sflag:s12], $0x4000  }
0xec: {  	[sflag:s12] =	ssyncset.done $0x0  }
0xed: {  	s26 =	rddreg [dreg:$0xb];
	[sflag:s12] =	ssyncadd.s32 $0xFFFFC000  }
0xee: {  	[tilespmem:s15], [sflag:$0x3] =	stream.linear.gather [spmem:s26], $0x4000, $0x38;
	[tilespmem:$0x1C200] =	vst v63  }
0xef: {  	_ =	swait.ge [sflag:s12], $0x4000  }
0xf0: {  	[sflag:s12] =	ssyncset.done $0x0  }
0xf1: {  	s21 =	rddreg [dreg:$0x7];
	[sflag:s12] =	ssyncadd.s32 $0xFFFFC000  }
0xf2: {  	[hbm4b:s21+s2] =	stream.linear.scatter [tilespmem:s15], [sflag:$0x3], $0x4000, $0x38;
	[tilespmem:$0x1C200] =	vst v63  }
0xf3: {  	_ =	swait.ge [sflag:s12], $0x4000  }
0xf4: {  	[sflag:s12] =	ssyncset.done $0x0  }
0xf5: {  	s24 =	rddreg [dreg:$0xc];
	[sflag:s12] =	ssyncadd.s32 $0xFFFFC000  }
0xf6: {  	[tilespmem:s15], [sflag:$0x3] =	stream.linear.gather [spmem:s24], $0x4000, $0x38;
	[tilespmem:$0x1C200] =	vst v63  }
0xf7: {  	_ =	swait.ge [sflag:s12], $0x4000  }
0xf8: {  	[sflag:s12] =	ssyncset.done $0x0  }
0xf9: {  	s25 =	rddreg [dreg:$0x8];
	[sflag:s12] =	ssyncadd.s32 $0xFFFFC000  }
0xfa: {  	[hbm4b:s25+s2] =	stream.linear.scatter [tilespmem:s15], [sflag:$0x3], $0x4000, $0x38;
	[tilespmem:$0x1C200] =	vst v63  }
0xfb: {  	_ =	swait.ge [sflag:s12], $0x4000  }
0xfc: {  	s10 =	sadd.s32 $0x1, s10;
	s26 =	rddreg [dreg:$0x3]  }
0xfd: {  	p0 =	sne.s32 s10, s26  }
.Ltmp1:
0xfe: {  	_ = 	snop;
	(pc) =	sbr.rel @p0 .LBB2_1-.Ltmp1, $3  }
0xff: {  	_ =	sdelay $0x1  }
0x100: {  	[sflag:s12] =	ssyncset.done $0x0  }
0x101: {  	[sflag:s12] =	ssyncadd.s32 $0xFFFFC000  }
0x102: {  	_ =	sfence.sel $0x180000  }
0x103: {  	[bflag:$0x0] =	sbarrier.arrive $0xFFFF  }
0x104: {  	_ =	strace $0x9000004A  }
0x105: {  	s0 =	stileid.u32;
	[bflag:$0x2] =	sbarrier.arrive $0xFFFF  }
0x106: {  	p0 =	sne.s32 s0, $0x0;
	s0 =	rddreg [dreg:$0x2]  }
0x107: {  	s0 =	sadd.s32 @!p0 $0x100000, s0  }
0x108: {  	[sflag:s0] =	ssyncadd.tile.s32 @!p0 $0x1;
	_ =	shalt  }
.Lfunc_end2:
_tile_overlayer_lowered:
.L_overlay_start_2:
0x109: {  	(tag) =	ssettag $0x2  }
0x10a: {  	s0 =	rddreg [dreg:$0x0];
	s2 =	stileid.u32  }
0x10b: {  	s1 =	rddreg [dreg:$0x1];
	p0 =	sne.s32 s2, $0x0  }
0x10c: {  	s3 =	rddreg [dreg:$0x2];
	[bflag:$0x3] =	sbarrier.arrive $0xFFFF;
	s2 =	simm.s32 @!p0 $0x1C03  }
0x10d: {  	[timem:s3], [sflag:s2] =	dma.local @!p0 [hbm:s0], s1  }
0x10e: {  	s0 =	simm.s32 @!p0 $0x3  }
0x10f: {  	_ =	swait.ge @!p0 [sflag:s0], s1  }
0x110: {  	s1 =	ssub.s32 @!p0 $0x0, s1;
	[sflag:s0] =	ssyncset.done @!p0 $0x0  }
0x111: {  	[sflag:s0] =	ssyncadd.s32 @!p0 s1  }
0x112: {  	[bflag:$0x3] =	sbarrier.arrive $0xFFFF  }
0x113: {  	_ =	shalt  }

</sc_bundles>
